<compile_context>
chip_gen: v7x
topology: tpu7x:2x2x1
jax: 0.10.2.dev20260603
libtpu: 0.0.44.dev20260713+nightly
codegen_flags: <defaults>
</compile_context>

<pallas_src>
import jax
import jax.numpy as jnp
from jax import lax
from jax.experimental import pallas as pl
from jax.experimental.pallas import tpu as pltpu
from jax.experimental.pallas import tpu_sc as plsc

B = 16384
H = 128
NC = 2
NS = 16
NW = NC * NS
BPW = B // NW
CHUNK = 128
NCHUNK = BPW // CHUNK

BM = 16384


def _gather_body(pt_hbm, ct_hbm, bt_hbm, ip_hbm, ic_hbm, ib_hbm,
                 out_hbm,
                 idxp, idxc, idxb, acc, ctab_s, btab_s,
                 isem, psem, bsem0, bsem1, osem):
    wid = lax.axis_index("s") * NC + lax.axis_index("c")
    base = wid * BPW

    idescs = []
    for src, dst in ((ip_hbm, idxp), (ic_hbm, idxc), (ib_hbm, idxb)):
        for j in range(NCHUNK):
            idescs.append(pltpu.async_copy(
                src.at[pl.ds(base + j * CHUNK, CHUNK)], dst.at[j], isem))

    @pl.when(lax.axis_index("s") == 0)
    def _():
        pltpu.sync_copy(ct_hbm, ctab_s)
        pltpu.sync_copy(bt_hbm, btab_s)

    for d in idescs:
        d.wait()

    pdescs = [
        pltpu.async_copy(pt_hbm.at[idxp.at[j]],
                         acc.at[pl.ds(j * CHUNK, CHUNK)], psem)
        for j in range(NCHUNK)
    ]

    plsc.subcore_barrier()

    cdescs = {}
    for j in range(NCHUNK):
        pdescs[j].wait()
        cdescs[j] = pltpu.async_copy(
            ctab_s.at[idxc.at[j]], acc.at[pl.ds(j * CHUNK, CHUNK)], bsem0,
            add=True)
    bdescs = {}
    for j in range(NCHUNK):
        cdescs[j].wait()
        bdescs[j] = pltpu.async_copy(
            btab_s.at[idxb.at[j]], acc.at[pl.ds(j * CHUNK, CHUNK)], bsem1,
            add=True)
    wdescs = []
    for j in range(NCHUNK):
        bdescs[j].wait()
        wdescs.append(pltpu.async_copy(
            acc.at[pl.ds(j * CHUNK, CHUNK)],
            out_hbm.at[pl.ds(base + j * CHUNK, CHUNK)], osem))
    for d in wdescs:
        d.wait()


_gather = pl.kernel(
    _gather_body,
    out_type=jax.ShapeDtypeStruct((B, H), jnp.float32),
    mesh=plsc.VectorSubcoreMesh(core_axis_name="c", subcore_axis_name="s",
                                num_cores=NC, num_subcores=NS),
    scratch_types=[
        pltpu.VMEM((NCHUNK, CHUNK), jnp.int32),
        pltpu.VMEM((NCHUNK, CHUNK), jnp.int32),
        pltpu.VMEM((NCHUNK, CHUNK), jnp.int32),
        pltpu.VMEM((BPW, H), jnp.float32),
        pltpu.VMEM_SHARED((1000, H), jnp.float32),
        pltpu.VMEM_SHARED((1000, H), jnp.float32),
        pltpu.SemaphoreType.DMA,
        pltpu.SemaphoreType.DMA,
        pltpu.SemaphoreType.DMA,
        pltpu.SemaphoreType.DMA,
        pltpu.SemaphoreType.DMA,
    ],
)


def _mlp_body(h_ref, w1_ref, b1_ref, w2_ref, b2_ref, out_ref):
    h = h_ref[...]
    a = jnp.dot(h, w1_ref[...], preferred_element_type=jnp.float32) + b1_ref[...]
    a = a * jax.nn.sigmoid(a)
    out_ref[...] = (jnp.dot(a, w2_ref[...], preferred_element_type=jnp.float32)
                    + b2_ref[...])


def _mlp(hidden, W1, b1, W2, b2):
    grid = (B // BM,)
    row_spec = pl.BlockSpec((BM, H), lambda i: (i, 0))
    full = pl.BlockSpec((H, H), lambda i: (0, 0))
    bias = pl.BlockSpec((1, H), lambda i: (0, 0))
    return pl.pallas_call(
        _mlp_body,
        grid=grid,
        in_specs=[row_spec, full, bias, full, bias],
        out_specs=row_spec,
        out_shape=jax.ShapeDtypeStruct((B, H), jnp.float32),
    )(hidden, W1, b1.reshape(1, H), W2, b2.reshape(1, H))


def kernel(perturbation, cell_type, batch, perturb_table, cell_table,
           batch_table, W1, b1, W2, b2):
    ip = perturbation.astype(jnp.int32)
    ic = cell_type.astype(jnp.int32)
    ib = batch.astype(jnp.int32)
    hidden = _gather(perturb_table, cell_table, batch_table, ip, ic, ib)
    return _mlp(hidden, W1, b1, W2, b2)

# --- scband reference (transcript-rebuilt; emitter-appended) ---
"""Pipeline reference for scband-additive-condition-encoder-2422361555634 (READ-ONLY COPY).

The authoritative reference and input builder live on the scoring server;
editing this copy changes nothing except your own understanding.
"""

import jax, jax.numpy as jnp
import numpy as np

B = 16384
H = 128
P = 100000  # perturbation_count
C = 1000    # cell_type_count
NB = 1000   # batch_count


def setup_inputs(seed: int = 0) -> dict:
    key = jax.random.key(seed)
    ks = jax.random.split(key, 11)
    perturbation = jax.random.randint(ks[0], (B,), 0, P, dtype=jnp.int64 if jax.config.jax_enable_x64 else jnp.int32)
    cell_type = jax.random.randint(ks[1], (B,), 0, C, dtype=perturbation.dtype)
    batch = jax.random.randint(ks[2], (B,), 0, NB, dtype=perturbation.dtype)
    perturb_table = jax.random.normal(ks[3], (P + 1, H), dtype=jnp.float32)
    perturb_table = perturb_table.at[P].set(0.0)  # padding row zeroed per __init__
    cell_table = jax.random.normal(ks[4], (C, H), dtype=jnp.float32)
    batch_table = jax.random.normal(ks[5], (NB, H), dtype=jnp.float32)
    s = 1.0 / np.sqrt(H)
    W1 = jax.random.uniform(ks[6], (H, H), minval=-s, maxval=s, dtype=jnp.float32)
    b1 = jax.random.uniform(ks[7], (H,), minval=-s, maxval=s, dtype=jnp.float32)
    W2 = jax.random.uniform(ks[8], (H, H), minval=-s, maxval=s, dtype=jnp.float32)
    b2 = jax.random.uniform(ks[9], (H,), minval=-s, maxval=s, dtype=jnp.float32)
    return {
        "perturbation": perturbation,
        "cell_type": cell_type,
        "batch": batch,
        "perturb_table": perturb_table,
        "cell_table": cell_table,
        "batch_table": batch_table,
        "W1": W1,
        "b1": b1,
        "W2": W2,
        "b2": b2,
    }


def reference(perturbation, cell_type, batch, perturb_table, cell_table, batch_table, W1, b1, W2, b2):
    hidden = jnp.take(perturb_table, perturbation, axis=0) \
        + jnp.take(cell_table, cell_type, axis=0) \
        + jnp.take(batch_table, batch, axis=0)
    h = hidden @ W1 + b1
    h = jax.nn.silu(h)
    out = h @ W2 + b2
    return out

if __name__ == "__main__":
    import jax
    _d = setup_inputs()
    print(jax.jit(kernel)(*tuple(_d.values())))

</pallas_src>

<mosaic_0001>
#map = affine_map<(d0, d1) -> (0, 0)>
#map1 = affine_map<(d0, d1) -> (0)>
module attributes {stable_mosaic.version = 14 : i64} {
  func.func @_gather_body(%arg0: i32, %arg1: i32, %arg2: memref<100001x128xf32, #tpu.memory_space<hbm>>, %arg3: memref<1000x128xf32, #tpu.memory_space<hbm>>, %arg4: memref<1000x128xf32, #tpu.memory_space<hbm>>, %arg5: memref<16384xi32, #tpu.memory_space<hbm>>, %arg6: memref<16384xi32, #tpu.memory_space<hbm>>, %arg7: memref<16384xi32, #tpu.memory_space<hbm>>, %arg8: memref<16384x128xf32, #tpu.memory_space<hbm>>, %arg9: memref<4x128xi32, #tpu.memory_space<vmem>>, %arg10: memref<4x128xi32, #tpu.memory_space<vmem>>, %arg11: memref<4x128xi32, #tpu.memory_space<vmem>>, %arg12: memref<512x128xf32, #tpu.memory_space<vmem>>, %arg13: memref<1000x128xf32, #tpu.memory_space<vmem_shared>>, %arg14: memref<1000x128xf32, #tpu.memory_space<vmem_shared>>, %arg15: memref<!tpu.dma_semaphore, #tpu.memory_space<semaphore_mem>>, %arg16: memref<!tpu.dma_semaphore, #tpu.memory_space<semaphore_mem>>, %arg17: memref<!tpu.dma_semaphore, #tpu.memory_space<semaphore_mem>>, %arg18: memref<!tpu.dma_semaphore, #tpu.memory_space<semaphore_mem>>, %arg19: memref<!tpu.dma_semaphore, #tpu.memory_space<semaphore_mem>>) attributes {dimension_semantics = [#tpu.dimension_semantics<core_parallel>, #tpu.dimension_semantics<subcore_parallel>], iteration_bounds = array<i64: 2, 16>, scalar_prefetch = 0 : i64, scratch_operands = 11 : i64, tpu.core_type = #tpu.core_type<sc_vector_subcore>, window_params = [{transform_indices = #map}, {transform_indices = #map}, {transform_indices = #map}, {transform_indices = #map1}, {transform_indices = #map1}, {transform_indices = #map1}, {transform_indices = #map}]} {
    %mul3A = arith.constant 2 : i32
    %mul3A_0 = arith.muli %arg1, %mul3A : i32
    %add3A = arith.addi %mul3A_0, %arg0 : i32
    %mul3A_1 = arith.constant 512 : i32
    %mul3A_2 = arith.muli %add3A, %mul3A_1 : i32
    %add3A_3 = arith.constant 0 : i32
    %add3A_4 = arith.addi %mul3A_2, %add3A_3 : i32
    %dma_start3A = arith.constant 0 : i32
    %dma_start3A_5 = arith.constant 0 : i32
    %dma_start3A_6 = tpu.memref_slice %arg9[%dma_start3A, %dma_start3A_5] : memref<4x128xi32, #tpu.memory_space<vmem>> -> memref<1x128xi32, #tpu.memory_space<vmem>>
    %dma_start3A_7 = tpu.memref_squeeze %dma_start3A_6 : memref<1x128xi32, #tpu.memory_space<vmem>> -> memref<128xi32, #tpu.memory_space<vmem>>
    %dma_start3A_8 = tpu.memref_slice %arg5[%add3A_4] : memref<16384xi32, #tpu.memory_space<hbm>> -> memref<128xi32, #tpu.memory_space<hbm>>
    %dma_start3A_9 = arith.constant 0 : i32
    %dma_start3A_10 = tpu.memref_slice %arg9[%dma_start3A, %dma_start3A_9] : memref<4x128xi32, #tpu.memory_space<vmem>> -> memref<1x128xi32, #tpu.memory_space<vmem>>
    %dma_start3A_11 = tpu.memref_squeeze %dma_start3A_10 : memref<1x128xi32, #tpu.memory_space<vmem>> -> memref<128xi32, #tpu.memory_space<vmem>>
    %dma_start3A_12 = tpu.memref_slice %arg5[%add3A_4] : memref<16384xi32, #tpu.memory_space<hbm>> -> memref<128xi32, #tpu.memory_space<hbm>>
    tpu.enqueue_dma source(%dma_start3A_12 : memref<128xi32, #tpu.memory_space<hbm>>) target(%dma_start3A_11 : memref<128xi32, #tpu.memory_space<vmem>>) target_semaphore(%arg15 : memref<!tpu.dma_semaphore, #tpu.memory_space<semaphore_mem>>)
    %add3A_13 = arith.constant 128 : i32
    %add3A_14 = arith.addi %mul3A_2, %add3A_13 : i32
    %dma_start3A_15 = arith.constant 1 : i32
    %dma_start3A_16 = arith.constant 0 : i32
    %dma_start3A_17 = tpu.memref_slice %arg9[%dma_start3A_15, %dma_start3A_16] : memref<4x128xi32, #tpu.memory_space<vmem>> -> memref<1x128xi32, #tpu.memory_space<vmem>>
    %dma_start3A_18 = tpu.memref_squeeze %dma_start3A_17 : memref<1x128xi32, #tpu.memory_space<vmem>> -> memref<128xi32, #tpu.memory_space<vmem>>
    %dma_start3A_19 = tpu.memref_slice %arg5[%add3A_14] : memref<16384xi32, #tpu.memory_space<hbm>> -> memref<128xi32, #tpu.memory_space<hbm>>
    %dma_start3A_20 = arith.constant 0 : i32
    %dma_start3A_21 = tpu.memref_slice %arg9[%dma_start3A_15, %dma_start3A_20] : memref<4x128xi32, #tpu.memory_space<vmem>> -> memref<1x128xi32, #tpu.memory_space<vmem>>
    %dma_start3A_22 = tpu.memref_squeeze %dma_start3A_21 : memref<1x128xi32, #tpu.memory_space<vmem>> -> memref<128xi32, #tpu.memory_space<vmem>>
    %dma_start3A_23 = tpu.memref_slice %arg5[%add3A_14] : memref<16384xi32, #tpu.memory_space<hbm>> -> memref<128xi32, #tpu.memory_space<hbm>>
    tpu.enqueue_dma source(%dma_start3A_23 : memref<128xi32, #tpu.memory_space<hbm>>) target(%dma_start3A_22 : memref<128xi32, #tpu.memory_space<vmem>>) target_semaphore(%arg15 : memref<!tpu.dma_semaphore, #tpu.memory_space<semaphore_mem>>)
    %add3A_24 = arith.constant 256 : i32
    %add3A_25 = arith.addi %mul3A_2, %add3A_24 : i32
    %dma_start3A_26 = arith.constant 2 : i32
    %dma_start3A_27 = arith.constant 0 : i32
    %dma_start3A_28 = tpu.memref_slice %arg9[%dma_start3A_26, %dma_start3A_27] : memref<4x128xi32, #tpu.memory_space<vmem>> -> memref<1x128xi32, #tpu.memory_space<vmem>>
    %dma_start3A_29 = tpu.memref_squeeze %dma_start3A_28 : memref<1x128xi32, #tpu.memory_space<vmem>> -> memref<128xi32, #tpu.memory_space<vmem>>
    %dma_start3A_30 = tpu.memref_slice %arg5[%add3A_25] : memref<16384xi32, #tpu.memory_space<hbm>> -> memref<128xi32, #tpu.memory_space<hbm>>
    %dma_start3A_31 = arith.constant 0 : i32
    %dma_start3A_32 = tpu.memref_slice %arg9[%dma_start3A_26, %dma_start3A_31] : memref<4x128xi32, #tpu.memory_space<vmem>> -> memref<1x128xi32, #tpu.memory_space<vmem>>
    %dma_start3A_33 = tpu.memref_squeeze %dma_start3A_32 : memref<1x128xi32, #tpu.memory_space<vmem>> -> memref<128xi32, #tpu.memory_space<vmem>>
    %dma_start3A_34 = tpu.memref_slice %arg5[%add3A_25] : memref<16384xi32, #tpu.memory_space<hbm>> -> memref<128xi32, #tpu.memory_space<hbm>>
    tpu.enqueue_dma source(%dma_start3A_34 : memref<128xi32, #tpu.memory_space<hbm>>) target(%dma_start3A_33 : memref<128xi32, #tpu.memory_space<vmem>>) target_semaphore(%arg15 : memref<!tpu.dma_semaphore, #tpu.memory_space<semaphore_mem>>)
    %add3A_35 = arith.constant 384 : i32
    %add3A_36 = arith.addi %mul3A_2, %add3A_35 : i32
    %dma_start3A_37 = arith.constant 3 : i32
    %dma_start3A_38 = arith.constant 0 : i32
    %dma_start3A_39 = tpu.memref_slice %arg9[%dma_start3A_37, %dma_start3A_38] : memref<4x128xi32, #tpu.memory_space<vmem>> -> memref<1x128xi32, #tpu.memory_space<vmem>>
    %dma_start3A_40 = tpu.memref_squeeze %dma_start3A_39 : memref<1x128xi32, #tpu.memory_space<vmem>> -> memref<128xi32, #tpu.memory_space<vmem>>
    %dma_start3A_41 = tpu.memref_slice %arg5[%add3A_36] : memref<16384xi32, #tpu.memory_space<hbm>> -> memref<128xi32, #tpu.memory_space<hbm>>
    %dma_start3A_42 = arith.constant 0 : i32
    %dma_start3A_43 = tpu.memref_slice %arg9[%dma_start3A_37, %dma_start3A_42] : memref<4x128xi32, #tpu.memory_space<vmem>> -> memref<1x128xi32, #tpu.memory_space<vmem>>
    %dma_start3A_44 = tpu.memref_squeeze %dma_start3A_43 : memref<1x128xi32, #tpu.memory_space<vmem>> -> memref<128xi32, #tpu.memory_space<vmem>>
    %dma_start3A_45 = tpu.memref_slice %arg5[%add3A_36] : memref<16384xi32, #tpu.memory_space<hbm>> -> memref<128xi32, #tpu.memory_space<hbm>>
    tpu.enqueue_dma source(%dma_start3A_45 : memref<128xi32, #tpu.memory_space<hbm>>) target(%dma_start3A_44 : memref<128xi32, #tpu.memory_space<vmem>>) target_semaphore(%arg15 : memref<!tpu.dma_semaphore, #tpu.memory_space<semaphore_mem>>)
    %add3A_46 = arith.constant 0 : i32
    %add3A_47 = arith.addi %mul3A_2, %add3A_46 : i32
    %dma_start3A_48 = arith.constant 0 : i32
    %dma_start3A_49 = arith.constant 0 : i32
    %dma_start3A_50 = tpu.memref_slice %arg10[%dma_start3A_48, %dma_start3A_49] : memref<4x128xi32, #tpu.memory_space<vmem>> -> memref<1x128xi32, #tpu.memory_space<vmem>>
    %dma_start3A_51 = tpu.memref_squeeze %dma_start3A_50 : memref<1x128xi32, #tpu.memory_space<vmem>> -> memref<128xi32, #tpu.memory_space<vmem>>
    %dma_start3A_52 = tpu.memref_slice %arg6[%add3A_47] : memref<16384xi32, #tpu.memory_space<hbm>> -> memref<128xi32, #tpu.memory_space<hbm>>
    %dma_start3A_53 = arith.constant 0 : i32
    %dma_start3A_54 = tpu.memref_slice %arg10[%dma_start3A_48, %dma_start3A_53] : memref<4x128xi32, #tpu.memory_space<vmem>> -> memref<1x128xi32, #tpu.memory_space<vmem>>
    %dma_start3A_55 = tpu.memref_squeeze %dma_start3A_54 : memref<1x128xi32, #tpu.memory_space<vmem>> -> memref<128xi32, #tpu.memory_space<vmem>>
    %dma_start3A_56 = tpu.memref_slice %arg6[%add3A_47] : memref<16384xi32, #tpu.memory_space<hbm>> -> memref<128xi32, #tpu.memory_space<hbm>>
    tpu.enqueue_dma source(%dma_start3A_56 : memref<128xi32, #tpu.memory_space<hbm>>) target(%dma_start3A_55 : memref<128xi32, #tpu.memory_space<vmem>>) target_semaphore(%arg15 : memref<!tpu.dma_semaphore, #tpu.memory_space<semaphore_mem>>)
    %add3A_57 = arith.constant 128 : i32
    %add3A_58 = arith.addi %mul3A_2, %add3A_57 : i32
    %dma_start3A_59 = arith.constant 1 : i32
    %dma_start3A_60 = arith.constant 0 : i32
    %dma_start3A_61 = tpu.memref_slice %arg10[%dma_start3A_59, %dma_start3A_60] : memref<4x128xi32, #tpu.memory_space<vmem>> -> memref<1x128xi32, #tpu.memory_space<vmem>>
    %dma_start3A_62 = tpu.memref_squeeze %dma_start3A_61 : memref<1x128xi32, #tpu.memory_space<vmem>> -> memref<128xi32, #tpu.memory_space<vmem>>
    %dma_start3A_63 = tpu.memref_slice %arg6[%add3A_58] : memref<16384xi32, #tpu.memory_space<hbm>> -> memref<128xi32, #tpu.memory_space<hbm>>
    %dma_start3A_64 = arith.constant 0 : i32
    %dma_start3A_65 = tpu.memref_slice %arg10[%dma_start3A_59, %dma_start3A_64] : memref<4x128xi32, #tpu.memory_space<vmem>> -> memref<1x128xi32, #tpu.memory_space<vmem>>
    %dma_start3A_66 = tpu.memref_squeeze %dma_start3A_65 : memref<1x128xi32, #tpu.memory_space<vmem>> -> memref<128xi32, #tpu.memory_space<vmem>>
    %dma_start3A_67 = tpu.memref_slice %arg6[%add3A_58] : memref<16384xi32, #tpu.memory_space<hbm>> -> memref<128xi32, #tpu.memory_space<hbm>>
    tpu.enqueue_dma source(%dma_start3A_67 : memref<128xi32, #tpu.memory_space<hbm>>) target(%dma_start3A_66 : memref<128xi32, #tpu.memory_space<vmem>>) target_semaphore(%arg15 : memref<!tpu.dma_semaphore, #tpu.memory_space<semaphore_mem>>)
    %add3A_68 = arith.constant 256 : i32
    %add3A_69 = arith.addi %mul3A_2, %add3A_68 : i32
    %dma_start3A_70 = arith.constant 2 : i32
    %dma_start3A_71 = arith.constant 0 : i32
    %dma_start3A_72 = tpu.memref_slice %arg10[%dma_start3A_70, %dma_start3A_71] : memref<4x128xi32, #tpu.memory_space<vmem>> -> memref<1x128xi32, #tpu.memory_space<vmem>>
    %dma_start3A_73 = tpu.memref_squeeze %dma_start3A_72 : memref<1x128xi32, #tpu.memory_space<vmem>> -> memref<128xi32, #tpu.memory_space<vmem>>
    %dma_start3A_74 = tpu.memref_slice %arg6[%add3A_69] : memref<16384xi32, #tpu.memory_space<hbm>> -> memref<128xi32, #tpu.memory_space<hbm>>
    %dma_start3A_75 = arith.constant 0 : i32
    %dma_start3A_76 = tpu.memref_slice %arg10[%dma_start3A_70, %dma_start3A_75] : memref<4x128xi32, #tpu.memory_space<vmem>> -> memref<1x128xi32, #tpu.memory_space<vmem>>
    %dma_start3A_77 = tpu.memref_squeeze %dma_start3A_76 : memref<1x128xi32, #tpu.memory_space<vmem>> -> memref<128xi32, #tpu.memory_space<vmem>>
    %dma_start3A_78 = tpu.memref_slice %arg6[%add3A_69] : memref<16384xi32, #tpu.memory_space<hbm>> -> memref<128xi32, #tpu.memory_space<hbm>>
    tpu.enqueue_dma source(%dma_start3A_78 : memref<128xi32, #tpu.memory_space<hbm>>) target(%dma_start3A_77 : memref<128xi32, #tpu.memory_space<vmem>>) target_semaphore(%arg15 : memref<!tpu.dma_semaphore, #tpu.memory_space<semaphore_mem>>)
    %add3A_79 = arith.constant 384 : i32
    %add3A_80 = arith.addi %mul3A_2, %add3A_79 : i32
    %dma_start3A_81 = arith.constant 3 : i32
    %dma_start3A_82 = arith.constant 0 : i32
    %dma_start3A_83 = tpu.memref_slice %arg10[%dma_start3A_81, %dma_start3A_82] : memref<4x128xi32, #tpu.memory_space<vmem>> -> memref<1x128xi32, #tpu.memory_space<vmem>>
    %dma_start3A_84 = tpu.memref_squeeze %dma_start3A_83 : memref<1x128xi32, #tpu.memory_space<vmem>> -> memref<128xi32, #tpu.memory_space<vmem>>
    %dma_start3A_85 = tpu.memref_slice %arg6[%add3A_80] : memref<16384xi32, #tpu.memory_space<hbm>> -> memref<128xi32, #tpu.memory_space<hbm>>
    %dma_start3A_86 = arith.constant 0 : i32
    %dma_start3A_87 = tpu.memref_slice %arg10[%dma_start3A_81, %dma_start3A_86] : memref<4x128xi32, #tpu.memory_space<vmem>> -> memref<1x128xi32, #tpu.memory_space<vmem>>
    %dma_start3A_88 = tpu.memref_squeeze %dma_start3A_87 : memref<1x128xi32, #tpu.memory_space<vmem>> -> memref<128xi32, #tpu.memory_space<vmem>>
    %dma_start3A_89 = tpu.memref_slice %arg6[%add3A_80] : memref<16384xi32, #tpu.memory_space<hbm>> -> memref<128xi32, #tpu.memory_space<hbm>>
    tpu.enqueue_dma source(%dma_start3A_89 : memref<128xi32, #tpu.memory_space<hbm>>) target(%dma_start3A_88 : memref<128xi32, #tpu.memory_space<vmem>>) target_semaphore(%arg15 : memref<!tpu.dma_semaphore, #tpu.memory_space<semaphore_mem>>)
    %add3A_90 = arith.constant 0 : i32
    %add3A_91 = arith.addi %mul3A_2, %add3A_90 : i32
    %dma_start3A_92 = arith.constant 0 : i32
    %dma_start3A_93 = arith.constant 0 : i32
    %dma_start3A_94 = tpu.memref_slice %arg11[%dma_start3A_92, %dma_start3A_93] : memref<4x128xi32, #tpu.memory_space<vmem>> -> memref<1x128xi32, #tpu.memory_space<vmem>>
    %dma_start3A_95 = tpu.memref_squeeze %dma_start3A_94 : memref<1x128xi32, #tpu.memory_space<vmem>> -> memref<128xi32, #tpu.memory_space<vmem>>
    %dma_start3A_96 = tpu.memref_slice %arg7[%add3A_91] : memref<16384xi32, #tpu.memory_space<hbm>> -> memref<128xi32, #tpu.memory_space<hbm>>
    %dma_start3A_97 = arith.constant 0 : i32
    %dma_start3A_98 = tpu.memref_slice %arg11[%dma_start3A_92, %dma_start3A_97] : memref<4x128xi32, #tpu.memory_space<vmem>> -> memref<1x128xi32, #tpu.memory_space<vmem>>
    %dma_start3A_99 = tpu.memref_squeeze %dma_start3A_98 : memref<1x128xi32, #tpu.memory_space<vmem>> -> memref<128xi32, #tpu.memory_space<vmem>>
    %dma_start3A_100 = tpu.memref_slice %arg7[%add3A_91] : memref<16384xi32, #tpu.memory_space<hbm>> -> memref<128xi32, #tpu.memory_space<hbm>>
    tpu.enqueue_dma source(%dma_start3A_100 : memref<128xi32, #tpu.memory_space<hbm>>) target(%dma_start3A_99 : memref<128xi32, #tpu.memory_space<vmem>>) target_semaphore(%arg15 : memref<!tpu.dma_semaphore, #tpu.memory_space<semaphore_mem>>)
    %add3A_101 = arith.constant 128 : i32
    %add3A_102 = arith.addi %mul3A_2, %add3A_101 : i32
    %dma_start3A_103 = arith.constant 1 : i32
    %dma_start3A_104 = arith.constant 0 : i32
    %dma_start3A_105 = tpu.memref_slice %arg11[%dma_start3A_103, %dma_start3A_104] : memref<4x128xi32, #tpu.memory_space<vmem>> -> memref<1x128xi32, #tpu.memory_space<vmem>>
    %dma_start3A_106 = tpu.memref_squeeze %dma_start3A_105 : memref<1x128xi32, #tpu.memory_space<vmem>> -> memref<128xi32, #tpu.memory_space<vmem>>
    %dma_start3A_107 = tpu.memref_slice %arg7[%add3A_102] : memref<16384xi32, #tpu.memory_space<hbm>> -> memref<128xi32, #tpu.memory_space<hbm>>
    %dma_start3A_108 = arith.constant 0 : i32
    %dma_start3A_109 = tpu.memref_slice %arg11[%dma_start3A_103, %dma_start3A_108] : memref<4x128xi32, #tpu.memory_space<vmem>> -> memref<1x128xi32, #tpu.memory_space<vmem>>
    %dma_start3A_110 = tpu.memref_squeeze %dma_start3A_109 : memref<1x128xi32, #tpu.memory_space<vmem>> -> memref<128xi32, #tpu.memory_space<vmem>>
    %dma_start3A_111 = tpu.memref_slice %arg7[%add3A_102] : memref<16384xi32, #tpu.memory_space<hbm>> -> memref<128xi32, #tpu.memory_space<hbm>>
    tpu.enqueue_dma source(%dma_start3A_111 : memref<128xi32, #tpu.memory_space<hbm>>) target(%dma_start3A_110 : memref<128xi32, #tpu.memory_space<vmem>>) target_semaphore(%arg15 : memref<!tpu.dma_semaphore, #tpu.memory_space<semaphore_mem>>)
    %add3A_112 = arith.constant 256 : i32
    %add3A_113 = arith.addi %mul3A_2, %add3A_112 : i32
    %dma_start3A_114 = arith.constant 2 : i32
    %dma_start3A_115 = arith.constant 0 : i32
    %dma_start3A_116 = tpu.memref_slice %arg11[%dma_start3A_114, %dma_start3A_115] : memref<4x128xi32, #tpu.memory_space<vmem>> -> memref<1x128xi32, #tpu.memory_space<vmem>>
    %dma_start3A_117 = tpu.memref_squeeze %dma_start3A_116 : memref<1x128xi32, #tpu.memory_space<vmem>> -> memref<128xi32, #tpu.memory_space<vmem>>
    %dma_start3A_118 = tpu.memref_slice %arg7[%add3A_113] : memref<16384xi32, #tpu.memory_space<hbm>> -> memref<128xi32, #tpu.memory_space<hbm>>
    %dma_start3A_119 = arith.constant 0 : i32
    %dma_start3A_120 = tpu.memref_slice %arg11[%dma_start3A_114, %dma_start3A_119] : memref<4x128xi32, #tpu.memory_space<vmem>> -> memref<1x128xi32, #tpu.memory_space<vmem>>
    %dma_start3A_121 = tpu.memref_squeeze %dma_start3A_120 : memref<1x128xi32, #tpu.memory_space<vmem>> -> memref<128xi32, #tpu.memory_space<vmem>>
    %dma_start3A_122 = tpu.memref_slice %arg7[%add3A_113] : memref<16384xi32, #tpu.memory_space<hbm>> -> memref<128xi32, #tpu.memory_space<hbm>>
    tpu.enqueue_dma source(%dma_start3A_122 : memref<128xi32, #tpu.memory_space<hbm>>) target(%dma_start3A_121 : memref<128xi32, #tpu.memory_space<vmem>>) target_semaphore(%arg15 : memref<!tpu.dma_semaphore, #tpu.memory_space<semaphore_mem>>)
    %add3A_123 = arith.constant 384 : i32
    %add3A_124 = arith.addi %mul3A_2, %add3A_123 : i32
    %dma_start3A_125 = arith.constant 3 : i32
    %dma_start3A_126 = arith.constant 0 : i32
    %dma_start3A_127 = tpu.memref_slice %arg11[%dma_start3A_125, %dma_start3A_126] : memref<4x128xi32, #tpu.memory_space<vmem>> -> memref<1x128xi32, #tpu.memory_space<vmem>>
    %dma_start3A_128 = tpu.memref_squeeze %dma_start3A_127 : memref<1x128xi32, #tpu.memory_space<vmem>> -> memref<128xi32, #tpu.memory_space<vmem>>
    %dma_start3A_129 = tpu.memref_slice %arg7[%add3A_124] : memref<16384xi32, #tpu.memory_space<hbm>> -> memref<128xi32, #tpu.memory_space<hbm>>
    %dma_start3A_130 = arith.constant 0 : i32
    %dma_start3A_131 = tpu.memref_slice %arg11[%dma_start3A_125, %dma_start3A_130] : memref<4x128xi32, #tpu.memory_space<vmem>> -> memref<1x128xi32, #tpu.memory_space<vmem>>
    %dma_start3A_132 = tpu.memref_squeeze %dma_start3A_131 : memref<1x128xi32, #tpu.memory_space<vmem>> -> memref<128xi32, #tpu.memory_space<vmem>>
    %dma_start3A_133 = tpu.memref_slice %arg7[%add3A_124] : memref<16384xi32, #tpu.memory_space<hbm>> -> memref<128xi32, #tpu.memory_space<hbm>>
    tpu.enqueue_dma source(%dma_start3A_133 : memref<128xi32, #tpu.memory_space<hbm>>) target(%dma_start3A_132 : memref<128xi32, #tpu.memory_space<vmem>>) target_semaphore(%arg15 : memref<!tpu.dma_semaphore, #tpu.memory_space<semaphore_mem>>)
    %eq3A = arith.constant 0 : i32
    %eq3A_134 = arith.cmpi eq, %arg1, %eq3A : i32
    %convert_element_type3A = arith.extui %eq3A_134 : i1 to i32
    %cond3A = arith.constant 0 : i32
    %cond3A_135 = arith.cmpi ne, %convert_element_type3A, %cond3A : i32
    scf.if %cond3A_135 {
      "tpu.region"() ({
        %run_scoped3A = tpu.sem_alloc : memref<!tpu.dma_semaphore, #tpu.memory_space<semaphore_mem>>
        tpu.enqueue_dma source(%arg3 : memref<1000x128xf32, #tpu.memory_space<hbm>>) target(%arg13 : memref<1000x128xf32, #tpu.memory_space<vmem_shared>>) target_semaphore(%run_scoped3A : memref<!tpu.dma_semaphore, #tpu.memory_space<semaphore_mem>>)
        tpu.wait_dma2 semaphore(%run_scoped3A : memref<!tpu.dma_semaphore, #tpu.memory_space<semaphore_mem>>) src(%arg3 : memref<1000x128xf32, #tpu.memory_space<hbm>>) dst(%arg13 : memref<1000x128xf32, #tpu.memory_space<vmem_shared>>)
        tpu.yield
      }) : () -> ()
      "tpu.region"() ({
        %run_scoped3A = tpu.sem_alloc : memref<!tpu.dma_semaphore, #tpu.memory_space<semaphore_mem>>
        tpu.enqueue_dma source(%arg4 : memref<1000x128xf32, #tpu.memory_space<hbm>>) target(%arg14 : memref<1000x128xf32, #tpu.memory_space<vmem_shared>>) target_semaphore(%run_scoped3A : memref<!tpu.dma_semaphore, #tpu.memory_space<semaphore_mem>>)
        tpu.wait_dma2 semaphore(%run_scoped3A : memref<!tpu.dma_semaphore, #tpu.memory_space<semaphore_mem>>) src(%arg4 : memref<1000x128xf32, #tpu.memory_space<hbm>>) dst(%arg14 : memref<1000x128xf32, #tpu.memory_space<vmem_shared>>)
        tpu.yield
      }) : () -> ()
    } else {
    }
    %dma_wait3A = arith.constant 0 : i32
    %dma_wait3A_136 = arith.constant 0 : i32
    %dma_wait3A_137 = tpu.memref_slice %arg9[%dma_wait3A, %dma_wait3A_136] : memref<4x128xi32, #tpu.memory_space<vmem>> -> memref<1x128xi32, #tpu.memory_space<vmem>>
    %dma_wait3A_138 = tpu.memref_squeeze %dma_wait3A_137 : memref<1x128xi32, #tpu.memory_space<vmem>> -> memref<128xi32, #tpu.memory_space<vmem>>
    %dma_wait3A_139 = tpu.memref_slice %arg5[%add3A_4] : memref<16384xi32, #tpu.memory_space<hbm>> -> memref<128xi32, #tpu.memory_space<hbm>>
    %dma_wait3A_140 = arith.constant 0 : i32
    %dma_wait3A_141 = tpu.memref_slice %arg9[%dma_wait3A, %dma_wait3A_140] : memref<4x128xi32, #tpu.memory_space<vmem>> -> memref<1x128xi32, #tpu.memory_space<vmem>>
    %dma_wait3A_142 = tpu.memref_squeeze %dma_wait3A_141 : memref<1x128xi32, #tpu.memory_space<vmem>> -> memref<128xi32, #tpu.memory_space<vmem>>
    %dma_wait3A_143 = tpu.memref_slice %arg5[%add3A_4] : memref<16384xi32, #tpu.memory_space<hbm>> -> memref<128xi32, #tpu.memory_space<hbm>>
    tpu.wait_dma2 semaphore(%arg15 : memref<!tpu.dma_semaphore, #tpu.memory_space<semaphore_mem>>) src(%dma_wait3A_143 : memref<128xi32, #tpu.memory_space<hbm>>) dst(%dma_wait3A_142 : memref<128xi32, #tpu.memory_space<vmem>>)
    %dma_wait3A_144 = arith.constant 1 : i32
    %dma_wait3A_145 = arith.constant 0 : i32
    %dma_wait3A_146 = tpu.memref_slice %arg9[%dma_wait3A_144, %dma_wait3A_145] : memref<4x128xi32, #tpu.memory_space<vmem>> -> memref<1x128xi32, #tpu.memory_space<vmem>>
    %dma_wait3A_147 = tpu.memref_squeeze %dma_wait3A_146 : memref<1x128xi32, #tpu.memory_space<vmem>> -> memref<128xi32, #tpu.memory_space<vmem>>
    %dma_wait3A_148 = tpu.memref_slice %arg5[%add3A_14] : memref<16384xi32, #tpu.memory_space<hbm>> -> memref<128xi32, #tpu.memory_space<hbm>>
    %dma_wait3A_149 = arith.constant 0 : i32
    %dma_wait3A_150 = tpu.memref_slice %arg9[%dma_wait3A_144, %dma_wait3A_149] : memref<4x128xi32, #tpu.memory_space<vmem>> -> memref<1x128xi32, #tpu.memory_space<vmem>>
    %dma_wait3A_151 = tpu.memref_squeeze %dma_wait3A_150 : memref<1x128xi32, #tpu.memory_space<vmem>> -> memref<128xi32, #tpu.memory_space<vmem>>
    %dma_wait3A_152 = tpu.memref_slice %arg5[%add3A_14] : memref<16384xi32, #tpu.memory_space<hbm>> -> memref<128xi32, #tpu.memory_space<hbm>>
    tpu.wait_dma2 semaphore(%arg15 : memref<!tpu.dma_semaphore, #tpu.memory_space<semaphore_mem>>) src(%dma_wait3A_152 : memref<128xi32, #tpu.memory_space<hbm>>) dst(%dma_wait3A_151 : memref<128xi32, #tpu.memory_space<vmem>>)
    %dma_wait3A_153 = arith.constant 2 : i32
    %dma_wait3A_154 = arith.constant 0 : i32
    %dma_wait3A_155 = tpu.memref_slice %arg9[%dma_wait3A_153, %dma_wait3A_154] : memref<4x128xi32, #tpu.memory_space<vmem>> -> memref<1x128xi32, #tpu.memory_space<vmem>>
    %dma_wait3A_156 = tpu.memref_squeeze %dma_wait3A_155 : memref<1x128xi32, #tpu.memory_space<vmem>> -> memref<128xi32, #tpu.memory_space<vmem>>
    %dma_wait3A_157 = tpu.memref_slice %arg5[%add3A_25] : memref<16384xi32, #tpu.memory_space<hbm>> -> memref<128xi32, #tpu.memory_space<hbm>>
    %dma_wait3A_158 = arith.constant 0 : i32
    %dma_wait3A_159 = tpu.memref_slice %arg9[%dma_wait3A_153, %dma_wait3A_158] : memref<4x128xi32, #tpu.memory_space<vmem>> -> memref<1x128xi32, #tpu.memory_space<vmem>>
    %dma_wait3A_160 = tpu.memref_squeeze %dma_wait3A_159 : memref<1x128xi32, #tpu.memory_space<vmem>> -> memref<128xi32, #tpu.memory_space<vmem>>
    %dma_wait3A_161 = tpu.memref_slice %arg5[%add3A_25] : memref<16384xi32, #tpu.memory_space<hbm>> -> memref<128xi32, #tpu.memory_space<hbm>>
    tpu.wait_dma2 semaphore(%arg15 : memref<!tpu.dma_semaphore, #tpu.memory_space<semaphore_mem>>) src(%dma_wait3A_161 : memref<128xi32, #tpu.memory_space<hbm>>) dst(%dma_wait3A_160 : memref<128xi32, #tpu.memory_space<vmem>>)
    %dma_wait3A_162 = arith.constant 3 : i32
    %dma_wait3A_163 = arith.constant 0 : i32
    %dma_wait3A_164 = tpu.memref_slice %arg9[%dma_wait3A_162, %dma_wait3A_163] : memref<4x128xi32, #tpu.memory_space<vmem>> -> memref<1x128xi32, #tpu.memory_space<vmem>>
    %dma_wait3A_165 = tpu.memref_squeeze %dma_wait3A_164 : memref<1x128xi32, #tpu.memory_space<vmem>> -> memref<128xi32, #tpu.memory_space<vmem>>
    %dma_wait3A_166 = tpu.memref_slice %arg5[%add3A_36] : memref<16384xi32, #tpu.memory_space<hbm>> -> memref<128xi32, #tpu.memory_space<hbm>>
    %dma_wait3A_167 = arith.constant 0 : i32
    %dma_wait3A_168 = tpu.memref_slice %arg9[%dma_wait3A_162, %dma_wait3A_167] : memref<4x128xi32, #tpu.memory_space<vmem>> -> memref<1x128xi32, #tpu.memory_space<vmem>>
    %dma_wait3A_169 = tpu.memref_squeeze %dma_wait3A_168 : memref<1x128xi32, #tpu.memory_space<vmem>> -> memref<128xi32, #tpu.memory_space<vmem>>
    %dma_wait3A_170 = tpu.memref_slice %arg5[%add3A_36] : memref<16384xi32, #tpu.memory_space<hbm>> -> memref<128xi32, #tpu.memory_space<hbm>>
    tpu.wait_dma2 semaphore(%arg15 : memref<!tpu.dma_semaphore, #tpu.memory_space<semaphore_mem>>) src(%dma_wait3A_170 : memref<128xi32, #tpu.memory_space<hbm>>) dst(%dma_wait3A_169 : memref<128xi32, #tpu.memory_space<vmem>>)
    %dma_wait3A_171 = arith.constant 0 : i32
    %dma_wait3A_172 = arith.constant 0 : i32
    %dma_wait3A_173 = tpu.memref_slice %arg10[%dma_wait3A_171, %dma_wait3A_172] : memref<4x128xi32, #tpu.memory_space<vmem>> -> memref<1x128xi32, #tpu.memory_space<vmem>>
    %dma_wait3A_174 = tpu.memref_squeeze %dma_wait3A_173 : memref<1x128xi32, #tpu.memory_space<vmem>> -> memref<128xi32, #tpu.memory_space<vmem>>
    %dma_wait3A_175 = tpu.memref_slice %arg6[%add3A_47] : memref<16384xi32, #tpu.memory_space<hbm>> -> memref<128xi32, #tpu.memory_space<hbm>>
    %dma_wait3A_176 = arith.constant 0 : i32
    %dma_wait3A_177 = tpu.memref_slice %arg10[%dma_wait3A_171, %dma_wait3A_176] : memref<4x128xi32, #tpu.memory_space<vmem>> -> memref<1x128xi32, #tpu.memory_space<vmem>>
    %dma_wait3A_178 = tpu.memref_squeeze %dma_wait3A_177 : memref<1x128xi32, #tpu.memory_space<vmem>> -> memref<128xi32, #tpu.memory_space<vmem>>
    %dma_wait3A_179 = tpu.memref_slice %arg6[%add3A_47] : memref<16384xi32, #tpu.memory_space<hbm>> -> memref<128xi32, #tpu.memory_space<hbm>>
    tpu.wait_dma2 semaphore(%arg15 : memref<!tpu.dma_semaphore, #tpu.memory_space<semaphore_mem>>) src(%dma_wait3A_179 : memref<128xi32, #tpu.memory_space<hbm>>) dst(%dma_wait3A_178 : memref<128xi32, #tpu.memory_space<vmem>>)
    %dma_wait3A_180 = arith.constant 1 : i32
    %dma_wait3A_181 = arith.constant 0 : i32
    %dma_wait3A_182 = tpu.memref_slice %arg10[%dma_wait3A_180, %dma_wait3A_181] : memref<4x128xi32, #tpu.memory_space<vmem>> -> memref<1x128xi32, #tpu.memory_space<vmem>>
    %dma_wait3A_183 = tpu.memref_squeeze %dma_wait3A_182 : memref<1x128xi32, #tpu.memory_space<vmem>> -> memref<128xi32, #tpu.memory_space<vmem>>
    %dma_wait3A_184 = tpu.memref_slice %arg6[%add3A_58] : memref<16384xi32, #tpu.memory_space<hbm>> -> memref<128xi32, #tpu.memory_space<hbm>>
    %dma_wait3A_185 = arith.constant 0 : i32
    %dma_wait3A_186 = tpu.memref_slice %arg10[%dma_wait3A_180, %dma_wait3A_185] : memref<4x128xi32, #tpu.memory_space<vmem>> -> memref<1x128xi32, #tpu.memory_space<vmem>>
    %dma_wait3A_187 = tpu.memref_squeeze %dma_wait3A_186 : memref<1x128xi32, #tpu.memory_space<vmem>> -> memref<128xi32, #tpu.memory_space<vmem>>
    %dma_wait3A_188 = tpu.memref_slice %arg6[%add3A_58] : memref<16384xi32, #tpu.memory_space<hbm>> -> memref<128xi32, #tpu.memory_space<hbm>>
    tpu.wait_dma2 semaphore(%arg15 : memref<!tpu.dma_semaphore, #tpu.memory_space<semaphore_mem>>) src(%dma_wait3A_188 : memref<128xi32, #tpu.memory_space<hbm>>) dst(%dma_wait3A_187 : memref<128xi32, #tpu.memory_space<vmem>>)
    %dma_wait3A_189 = arith.constant 2 : i32
    %dma_wait3A_190 = arith.constant 0 : i32
    %dma_wait3A_191 = tpu.memref_slice %arg10[%dma_wait3A_189, %dma_wait3A_190] : memref<4x128xi32, #tpu.memory_space<vmem>> -> memref<1x128xi32, #tpu.memory_space<vmem>>
    %dma_wait3A_192 = tpu.memref_squeeze %dma_wait3A_191 : memref<1x128xi32, #tpu.memory_space<vmem>> -> memref<128xi32, #tpu.memory_space<vmem>>
    %dma_wait3A_193 = tpu.memref_slice %arg6[%add3A_69] : memref<16384xi32, #tpu.memory_space<hbm>> -> memref<128xi32, #tpu.memory_space<hbm>>
    %dma_wait3A_194 = arith.constant 0 : i32
    %dma_wait3A_195 = tpu.memref_slice %arg10[%dma_wait3A_189, %dma_wait3A_194] : memref<4x128xi32, #tpu.memory_space<vmem>> -> memref<1x128xi32, #tpu.memory_space<vmem>>
    %dma_wait3A_196 = tpu.memref_squeeze %dma_wait3A_195 : memref<1x128xi32, #tpu.memory_space<vmem>> -> memref<128xi32, #tpu.memory_space<vmem>>
    %dma_wait3A_197 = tpu.memref_slice %arg6[%add3A_69] : memref<16384xi32, #tpu.memory_space<hbm>> -> memref<128xi32, #tpu.memory_space<hbm>>
    tpu.wait_dma2 semaphore(%arg15 : memref<!tpu.dma_semaphore, #tpu.memory_space<semaphore_mem>>) src(%dma_wait3A_197 : memref<128xi32, #tpu.memory_space<hbm>>) dst(%dma_wait3A_196 : memref<128xi32, #tpu.memory_space<vmem>>)
    %dma_wait3A_198 = arith.constant 3 : i32
    %dma_wait3A_199 = arith.constant 0 : i32
    %dma_wait3A_200 = tpu.memref_slice %arg10[%dma_wait3A_198, %dma_wait3A_199] : memref<4x128xi32, #tpu.memory_space<vmem>> -> memref<1x128xi32, #tpu.memory_space<vmem>>
    %dma_wait3A_201 = tpu.memref_squeeze %dma_wait3A_200 : memref<1x128xi32, #tpu.memory_space<vmem>> -> memref<128xi32, #tpu.memory_space<vmem>>
    %dma_wait3A_202 = tpu.memref_slice %arg6[%add3A_80] : memref<16384xi32, #tpu.memory_space<hbm>> -> memref<128xi32, #tpu.memory_space<hbm>>
    %dma_wait3A_203 = arith.constant 0 : i32
    %dma_wait3A_204 = tpu.memref_slice %arg10[%dma_wait3A_198, %dma_wait3A_203] : memref<4x128xi32, #tpu.memory_space<vmem>> -> memref<1x128xi32, #tpu.memory_space<vmem>>
    %dma_wait3A_205 = tpu.memref_squeeze %dma_wait3A_204 : memref<1x128xi32, #tpu.memory_space<vmem>> -> memref<128xi32, #tpu.memory_space<vmem>>
    %dma_wait3A_206 = tpu.memref_slice %arg6[%add3A_80] : memref<16384xi32, #tpu.memory_space<hbm>> -> memref<128xi32, #tpu.memory_space<hbm>>
    tpu.wait_dma2 semaphore(%arg15 : memref<!tpu.dma_semaphore, #tpu.memory_space<semaphore_mem>>) src(%dma_wait3A_206 : memref<128xi32, #tpu.memory_space<hbm>>) dst(%dma_wait3A_205 : memref<128xi32, #tpu.memory_space<vmem>>)
    %dma_wait3A_207 = arith.constant 0 : i32
    %dma_wait3A_208 = arith.constant 0 : i32
    %dma_wait3A_209 = tpu.memref_slice %arg11[%dma_wait3A_207, %dma_wait3A_208] : memref<4x128xi32, #tpu.memory_space<vmem>> -> memref<1x128xi32, #tpu.memory_space<vmem>>
    %dma_wait3A_210 = tpu.memref_squeeze %dma_wait3A_209 : memref<1x128xi32, #tpu.memory_space<vmem>> -> memref<128xi32, #tpu.memory_space<vmem>>
    %dma_wait3A_211 = tpu.memref_slice %arg7[%add3A_91] : memref<16384xi32, #tpu.memory_space<hbm>> -> memref<128xi32, #tpu.memory_space<hbm>>
    %dma_wait3A_212 = arith.constant 0 : i32
    %dma_wait3A_213 = tpu.memref_slice %arg11[%dma_wait3A_207, %dma_wait3A_212] : memref<4x128xi32, #tpu.memory_space<vmem>> -> memref<1x128xi32, #tpu.memory_space<vmem>>
    %dma_wait3A_214 = tpu.memref_squeeze %dma_wait3A_213 : memref<1x128xi32, #tpu.memory_space<vmem>> -> memref<128xi32, #tpu.memory_space<vmem>>
    %dma_wait3A_215 = tpu.memref_slice %arg7[%add3A_91] : memref<16384xi32, #tpu.memory_space<hbm>> -> memref<128xi32, #tpu.memory_space<hbm>>
    tpu.wait_dma2 semaphore(%arg15 : memref<!tpu.dma_semaphore, #tpu.memory_space<semaphore_mem>>) src(%dma_wait3A_215 : memref<128xi32, #tpu.memory_space<hbm>>) dst(%dma_wait3A_214 : memref<128xi32, #tpu.memory_space<vmem>>)
    %dma_wait3A_216 = arith.constant 1 : i32
    %dma_wait3A_217 = arith.constant 0 : i32
    %dma_wait3A_218 = tpu.memref_slice %arg11[%dma_wait3A_216, %dma_wait3A_217] : memref<4x128xi32, #tpu.memory_space<vmem>> -> memref<1x128xi32, #tpu.memory_space<vmem>>
    %dma_wait3A_219 = tpu.memref_squeeze %dma_wait3A_218 : memref<1x128xi32, #tpu.memory_space<vmem>> -> memref<128xi32, #tpu.memory_space<vmem>>
    %dma_wait3A_220 = tpu.memref_slice %arg7[%add3A_102] : memref<16384xi32, #tpu.memory_space<hbm>> -> memref<128xi32, #tpu.memory_space<hbm>>
    %dma_wait3A_221 = arith.constant 0 : i32
    %dma_wait3A_222 = tpu.memref_slice %arg11[%dma_wait3A_216, %dma_wait3A_221] : memref<4x128xi32, #tpu.memory_space<vmem>> -> memref<1x128xi32, #tpu.memory_space<vmem>>
    %dma_wait3A_223 = tpu.memref_squeeze %dma_wait3A_222 : memref<1x128xi32, #tpu.memory_space<vmem>> -> memref<128xi32, #tpu.memory_space<vmem>>
    %dma_wait3A_224 = tpu.memref_slice %arg7[%add3A_102] : memref<16384xi32, #tpu.memory_space<hbm>> -> memref<128xi32, #tpu.memory_space<hbm>>
    tpu.wait_dma2 semaphore(%arg15 : memref<!tpu.dma_semaphore, #tpu.memory_space<semaphore_mem>>) src(%dma_wait3A_224 : memref<128xi32, #tpu.memory_space<hbm>>) dst(%dma_wait3A_223 : memref<128xi32, #tpu.memory_space<vmem>>)
    %dma_wait3A_225 = arith.constant 2 : i32
    %dma_wait3A_226 = arith.constant 0 : i32
    %dma_wait3A_227 = tpu.memref_slice %arg11[%dma_wait3A_225, %dma_wait3A_226] : memref<4x128xi32, #tpu.memory_space<vmem>> -> memref<1x128xi32, #tpu.memory_space<vmem>>
    %dma_wait3A_228 = tpu.memref_squeeze %dma_wait3A_227 : memref<1x128xi32, #tpu.memory_space<vmem>> -> memref<128xi32, #tpu.memory_space<vmem>>
    %dma_wait3A_229 = tpu.memref_slice %arg7[%add3A_113] : memref<16384xi32, #tpu.memory_space<hbm>> -> memref<128xi32, #tpu.memory_space<hbm>>
    %dma_wait3A_230 = arith.constant 0 : i32
    %dma_wait3A_231 = tpu.memref_slice %arg11[%dma_wait3A_225, %dma_wait3A_230] : memref<4x128xi32, #tpu.memory_space<vmem>> -> memref<1x128xi32, #tpu.memory_space<vmem>>
    %dma_wait3A_232 = tpu.memref_squeeze %dma_wait3A_231 : memref<1x128xi32, #tpu.memory_space<vmem>> -> memref<128xi32, #tpu.memory_space<vmem>>
    %dma_wait3A_233 = tpu.memref_slice %arg7[%add3A_113] : memref<16384xi32, #tpu.memory_space<hbm>> -> memref<128xi32, #tpu.memory_space<hbm>>
    tpu.wait_dma2 semaphore(%arg15 : memref<!tpu.dma_semaphore, #tpu.memory_space<semaphore_mem>>) src(%dma_wait3A_233 : memref<128xi32, #tpu.memory_space<hbm>>) dst(%dma_wait3A_232 : memref<128xi32, #tpu.memory_space<vmem>>)
    %dma_wait3A_234 = arith.constant 3 : i32
    %dma_wait3A_235 = arith.constant 0 : i32
    %dma_wait3A_236 = tpu.memref_slice %arg11[%dma_wait3A_234, %dma_wait3A_235] : memref<4x128xi32, #tpu.memory_space<vmem>> -> memref<1x128xi32, #tpu.memory_space<vmem>>
    %dma_wait3A_237 = tpu.memref_squeeze %dma_wait3A_236 : memref<1x128xi32, #tpu.memory_space<vmem>> -> memref<128xi32, #tpu.memory_space<vmem>>
    %dma_wait3A_238 = tpu.memref_slice %arg7[%add3A_124] : memref<16384xi32, #tpu.memory_space<hbm>> -> memref<128xi32, #tpu.memory_space<hbm>>
    %dma_wait3A_239 = arith.constant 0 : i32
    %dma_wait3A_240 = tpu.memref_slice %arg11[%dma_wait3A_234, %dma_wait3A_239] : memref<4x128xi32, #tpu.memory_space<vmem>> -> memref<1x128xi32, #tpu.memory_space<vmem>>
    %dma_wait3A_241 = tpu.memref_squeeze %dma_wait3A_240 : memref<1x128xi32, #tpu.memory_space<vmem>> -> memref<128xi32, #tpu.memory_space<vmem>>
    %dma_wait3A_242 = tpu.memref_slice %arg7[%add3A_124] : memref<16384xi32, #tpu.memory_space<hbm>> -> memref<128xi32, #tpu.memory_space<hbm>>
    tpu.wait_dma2 semaphore(%arg15 : memref<!tpu.dma_semaphore, #tpu.memory_space<semaphore_mem>>) src(%dma_wait3A_242 : memref<128xi32, #tpu.memory_space<hbm>>) dst(%dma_wait3A_241 : memref<128xi32, #tpu.memory_space<vmem>>)
    %dma_start3A_243 = arith.constant 0 : i32
    %dma_start3A_244 = arith.constant 0 : i32
    %dma_start3A_245 = arith.constant 0 : i32
    %dma_start3A_246 = tpu.memref_slice %arg12[%dma_start3A_244, %dma_start3A_245] : memref<512x128xf32, #tpu.memory_space<vmem>> -> memref<128x128xf32, #tpu.memory_space<vmem>>
    %dma_start3A_247 = arith.constant 0 : i32
    %dma_start3A_248 = tpu.memref_slice %arg9[%dma_start3A_243, %dma_start3A_247] : memref<4x128xi32, #tpu.memory_space<vmem>> -> memref<1x128xi32, #tpu.memory_space<vmem>>
    %dma_start3A_249 = tpu.memref_squeeze %dma_start3A_248 : memref<1x128xi32, #tpu.memory_space<vmem>> -> memref<128xi32, #tpu.memory_space<vmem>>
    %dma_start3A_250 = arith.constant 0 : i32
    %dma_start3A_251 = arith.constant 0 : i32
    %dma_start3A_252 = tpu.memref_slice %arg2[%dma_start3A_250, %dma_start3A_251] : memref<100001x128xf32, #tpu.memory_space<hbm>> -> memref<100001x128xf32, #tpu.memory_space<hbm>>
    tpu.enqueue_indirect_dma source(%dma_start3A_252 : memref<100001x128xf32, #tpu.memory_space<hbm>>) target(%dma_start3A_246 : memref<128x128xf32, #tpu.memory_space<vmem>>) offsets(%dma_start3A_249 : memref<128xi32, #tpu.memory_space<vmem>>) semaphore(%arg16 : memref<!tpu.dma_semaphore, #tpu.memory_space<semaphore_mem>>)
    %dma_start3A_253 = arith.constant 1 : i32
    %dma_start3A_254 = arith.constant 128 : i32
    %dma_start3A_255 = arith.constant 0 : i32
    %dma_start3A_256 = tpu.memref_slice %arg12[%dma_start3A_254, %dma_start3A_255] : memref<512x128xf32, #tpu.memory_space<vmem>> -> memref<128x128xf32, #tpu.memory_space<vmem>>
    %dma_start3A_257 = arith.constant 0 : i32
    %dma_start3A_258 = tpu.memref_slice %arg9[%dma_start3A_253, %dma_start3A_257] : memref<4x128xi32, #tpu.memory_space<vmem>> -> memref<1x128xi32, #tpu.memory_space<vmem>>
    %dma_start3A_259 = tpu.memref_squeeze %dma_start3A_258 : memref<1x128xi32, #tpu.memory_space<vmem>> -> memref<128xi32, #tpu.memory_space<vmem>>
    %dma_start3A_260 = arith.constant 0 : i32
    %dma_start3A_261 = arith.constant 0 : i32
    %dma_start3A_262 = tpu.memref_slice %arg2[%dma_start3A_260, %dma_start3A_261] : memref<100001x128xf32, #tpu.memory_space<hbm>> -> memref<100001x128xf32, #tpu.memory_space<hbm>>
    tpu.enqueue_indirect_dma source(%dma_start3A_262 : memref<100001x128xf32, #tpu.memory_space<hbm>>) target(%dma_start3A_256 : memref<128x128xf32, #tpu.memory_space<vmem>>) offsets(%dma_start3A_259 : memref<128xi32, #tpu.memory_space<vmem>>) semaphore(%arg16 : memref<!tpu.dma_semaphore, #tpu.memory_space<semaphore_mem>>)
    %dma_start3A_263 = arith.constant 2 : i32
    %dma_start3A_264 = arith.constant 256 : i32
    %dma_start3A_265 = arith.constant 0 : i32
    %dma_start3A_266 = tpu.memref_slice %arg12[%dma_start3A_264, %dma_start3A_265] : memref<512x128xf32, #tpu.memory_space<vmem>> -> memref<128x128xf32, #tpu.memory_space<vmem>>
    %dma_start3A_267 = arith.constant 0 : i32
    %dma_start3A_268 = tpu.memref_slice %arg9[%dma_start3A_263, %dma_start3A_267] : memref<4x128xi32, #tpu.memory_space<vmem>> -> memref<1x128xi32, #tpu.memory_space<vmem>>
    %dma_start3A_269 = tpu.memref_squeeze %dma_start3A_268 : memref<1x128xi32, #tpu.memory_space<vmem>> -> memref<128xi32, #tpu.memory_space<vmem>>
    %dma_start3A_270 = arith.constant 0 : i32
    %dma_start3A_271 = arith.constant 0 : i32
    %dma_start3A_272 = tpu.memref_slice %arg2[%dma_start3A_270, %dma_start3A_271] : memref<100001x128xf32, #tpu.memory_space<hbm>> -> memref<100001x128xf32, #tpu.memory_space<hbm>>
    tpu.enqueue_indirect_dma source(%dma_start3A_272 : memref<100001x128xf32, #tpu.memory_space<hbm>>) target(%dma_start3A_266 : memref<128x128xf32, #tpu.memory_space<vmem>>) offsets(%dma_start3A_269 : memref<128xi32, #tpu.memory_space<vmem>>) semaphore(%arg16 : memref<!tpu.dma_semaphore, #tpu.memory_space<semaphore_mem>>)
    %dma_start3A_273 = arith.constant 3 : i32
    %dma_start3A_274 = arith.constant 384 : i32
    %dma_start3A_275 = arith.constant 0 : i32
    %dma_start3A_276 = tpu.memref_slice %arg12[%dma_start3A_274, %dma_start3A_275] : memref<512x128xf32, #tpu.memory_space<vmem>> -> memref<128x128xf32, #tpu.memory_space<vmem>>
    %dma_start3A_277 = arith.constant 0 : i32
    %dma_start3A_278 = tpu.memref_slice %arg9[%dma_start3A_273, %dma_start3A_277] : memref<4x128xi32, #tpu.memory_space<vmem>> -> memref<1x128xi32, #tpu.memory_space<vmem>>
    %dma_start3A_279 = tpu.memref_squeeze %dma_start3A_278 : memref<1x128xi32, #tpu.memory_space<vmem>> -> memref<128xi32, #tpu.memory_space<vmem>>
    %dma_start3A_280 = arith.constant 0 : i32
    %dma_start3A_281 = arith.constant 0 : i32
    %dma_start3A_282 = tpu.memref_slice %arg2[%dma_start3A_280, %dma_start3A_281] : memref<100001x128xf32, #tpu.memory_space<hbm>> -> memref<100001x128xf32, #tpu.memory_space<hbm>>
    tpu.enqueue_indirect_dma source(%dma_start3A_282 : memref<100001x128xf32, #tpu.memory_space<hbm>>) target(%dma_start3A_276 : memref<128x128xf32, #tpu.memory_space<vmem>>) offsets(%dma_start3A_279 : memref<128xi32, #tpu.memory_space<vmem>>) semaphore(%arg16 : memref<!tpu.dma_semaphore, #tpu.memory_space<semaphore_mem>>)
    %barrier3A = arith.constant 0 : index
    tpu.barrier barrier_id(%barrier3A)
    %dma_wait3A_283 = arith.constant 0 : i32
    %dma_wait3A_284 = arith.constant 0 : i32
    %dma_wait3A_285 = arith.constant 0 : i32
    %dma_wait3A_286 = tpu.memref_slice %arg12[%dma_wait3A_284, %dma_wait3A_285] : memref<512x128xf32, #tpu.memory_space<vmem>> -> memref<128x128xf32, #tpu.memory_space<vmem>>
    %dma_wait3A_287 = arith.constant 0 : i32
    %dma_wait3A_288 = tpu.memref_slice %arg9[%dma_wait3A_283, %dma_wait3A_287] : memref<4x128xi32, #tpu.memory_space<vmem>> -> memref<1x128xi32, #tpu.memory_space<vmem>>
    %dma_wait3A_289 = tpu.memref_squeeze %dma_wait3A_288 : memref<1x128xi32, #tpu.memory_space<vmem>> -> memref<128xi32, #tpu.memory_space<vmem>>
    %dma_wait3A_290 = arith.constant 0 : i32
    %dma_wait3A_291 = arith.constant 0 : i32
    %dma_wait3A_292 = tpu.memref_slice %arg2[%dma_wait3A_290, %dma_wait3A_291] : memref<100001x128xf32, #tpu.memory_space<hbm>> -> memref<100001x128xf32, #tpu.memory_space<hbm>>
    tpu.wait_indirect_dma semaphore(%arg16 : memref<!tpu.dma_semaphore, #tpu.memory_space<semaphore_mem>>) src(%dma_wait3A_292 : memref<100001x128xf32, #tpu.memory_space<hbm>>) dst(%dma_wait3A_286 : memref<128x128xf32, #tpu.memory_space<vmem>>)
    %dma_start3A_293 = arith.constant 0 : i32
    %dma_start3A_294 = arith.constant 0 : i32
    %dma_start3A_295 = arith.constant 0 : i32
    %dma_start3A_296 = tpu.memref_slice %arg12[%dma_start3A_294, %dma_start3A_295] : memref<512x128xf32, #tpu.memory_space<vmem>> -> memref<128x128xf32, #tpu.memory_space<vmem>>
    %dma_start3A_297 = arith.constant 0 : i32
    %dma_start3A_298 = tpu.memref_slice %arg10[%dma_start3A_293, %dma_start3A_297] : memref<4x128xi32, #tpu.memory_space<vmem>> -> memref<1x128xi32, #tpu.memory_space<vmem>>
    %dma_start3A_299 = tpu.memref_squeeze %dma_start3A_298 : memref<1x128xi32, #tpu.memory_space<vmem>> -> memref<128xi32, #tpu.memory_space<vmem>>
    %dma_start3A_300 = arith.constant 0 : i32
    %dma_start3A_301 = arith.constant 0 : i32
    %dma_start3A_302 = tpu.memref_slice %arg13[%dma_start3A_300, %dma_start3A_301] : memref<1000x128xf32, #tpu.memory_space<vmem_shared>> -> memref<1000x128xf32, #tpu.memory_space<vmem_shared>>
    tpu.enqueue_indirect_dma source(%dma_start3A_302 : memref<1000x128xf32, #tpu.memory_space<vmem_shared>>) target(%dma_start3A_296 : memref<128x128xf32, #tpu.memory_space<vmem>>) offsets(%dma_start3A_299 : memref<128xi32, #tpu.memory_space<vmem>>) semaphore(%arg17 : memref<!tpu.dma_semaphore, #tpu.memory_space<semaphore_mem>>) {add = true}
    %dma_wait3A_303 = arith.constant 1 : i32
    %dma_wait3A_304 = arith.constant 128 : i32
    %dma_wait3A_305 = arith.constant 0 : i32
    %dma_wait3A_306 = tpu.memref_slice %arg12[%dma_wait3A_304, %dma_wait3A_305] : memref<512x128xf32, #tpu.memory_space<vmem>> -> memref<128x128xf32, #tpu.memory_space<vmem>>
    %dma_wait3A_307 = arith.constant 0 : i32
    %dma_wait3A_308 = tpu.memref_slice %arg9[%dma_wait3A_303, %dma_wait3A_307] : memref<4x128xi32, #tpu.memory_space<vmem>> -> memref<1x128xi32, #tpu.memory_space<vmem>>
    %dma_wait3A_309 = tpu.memref_squeeze %dma_wait3A_308 : memref<1x128xi32, #tpu.memory_space<vmem>> -> memref<128xi32, #tpu.memory_space<vmem>>
    %dma_wait3A_310 = arith.constant 0 : i32
    %dma_wait3A_311 = arith.constant 0 : i32
    %dma_wait3A_312 = tpu.memref_slice %arg2[%dma_wait3A_310, %dma_wait3A_311] : memref<100001x128xf32, #tpu.memory_space<hbm>> -> memref<100001x128xf32, #tpu.memory_space<hbm>>
    tpu.wait_indirect_dma semaphore(%arg16 : memref<!tpu.dma_semaphore, #tpu.memory_space<semaphore_mem>>) src(%dma_wait3A_312 : memref<100001x128xf32, #tpu.memory_space<hbm>>) dst(%dma_wait3A_306 : memref<128x128xf32, #tpu.memory_space<vmem>>)
    %dma_start3A_313 = arith.constant 1 : i32
    %dma_start3A_314 = arith.constant 128 : i32
    %dma_start3A_315 = arith.constant 0 : i32
    %dma_start3A_316 = tpu.memref_slice %arg12[%dma_start3A_314, %dma_start3A_315] : memref<512x128xf32, #tpu.memory_space<vmem>> -> memref<128x128xf32, #tpu.memory_space<vmem>>
    %dma_start3A_317 = arith.constant 0 : i32
    %dma_start3A_318 = tpu.memref_slice %arg10[%dma_start3A_313, %dma_start3A_317] : memref<4x128xi32, #tpu.memory_space<vmem>> -> memref<1x128xi32, #tpu.memory_space<vmem>>
    %dma_start3A_319 = tpu.memref_squeeze %dma_start3A_318 : memref<1x128xi32, #tpu.memory_space<vmem>> -> memref<128xi32, #tpu.memory_space<vmem>>
    %dma_start3A_320 = arith.constant 0 : i32
    %dma_start3A_321 = arith.constant 0 : i32
    %dma_start3A_322 = tpu.memref_slice %arg13[%dma_start3A_320, %dma_start3A_321] : memref<1000x128xf32, #tpu.memory_space<vmem_shared>> -> memref<1000x128xf32, #tpu.memory_space<vmem_shared>>
    tpu.enqueue_indirect_dma source(%dma_start3A_322 : memref<1000x128xf32, #tpu.memory_space<vmem_shared>>) target(%dma_start3A_316 : memref<128x128xf32, #tpu.memory_space<vmem>>) offsets(%dma_start3A_319 : memref<128xi32, #tpu.memory_space<vmem>>) semaphore(%arg17 : memref<!tpu.dma_semaphore, #tpu.memory_space<semaphore_mem>>) {add = true}
    %dma_wait3A_323 = arith.constant 2 : i32
    %dma_wait3A_324 = arith.constant 256 : i32
    %dma_wait3A_325 = arith.constant 0 : i32
    %dma_wait3A_326 = tpu.memref_slice %arg12[%dma_wait3A_324, %dma_wait3A_325] : memref<512x128xf32, #tpu.memory_space<vmem>> -> memref<128x128xf32, #tpu.memory_space<vmem>>
    %dma_wait3A_327 = arith.constant 0 : i32
    %dma_wait3A_328 = tpu.memref_slice %arg9[%dma_wait3A_323, %dma_wait3A_327] : memref<4x128xi32, #tpu.memory_space<vmem>> -> memref<1x128xi32, #tpu.memory_space<vmem>>
    %dma_wait3A_329 = tpu.memref_squeeze %dma_wait3A_328 : memref<1x128xi32, #tpu.memory_space<vmem>> -> memref<128xi32, #tpu.memory_space<vmem>>
    %dma_wait3A_330 = arith.constant 0 : i32
    %dma_wait3A_331 = arith.constant 0 : i32
    %dma_wait3A_332 = tpu.memref_slice %arg2[%dma_wait3A_330, %dma_wait3A_331] : memref<100001x128xf32, #tpu.memory_space<hbm>> -> memref<100001x128xf32, #tpu.memory_space<hbm>>
    tpu.wait_indirect_dma semaphore(%arg16 : memref<!tpu.dma_semaphore, #tpu.memory_space<semaphore_mem>>) src(%dma_wait3A_332 : memref<100001x128xf32, #tpu.memory_space<hbm>>) dst(%dma_wait3A_326 : memref<128x128xf32, #tpu.memory_space<vmem>>)
    %dma_start3A_333 = arith.constant 2 : i32
    %dma_start3A_334 = arith.constant 256 : i32
    %dma_start3A_335 = arith.constant 0 : i32
    %dma_start3A_336 = tpu.memref_slice %arg12[%dma_start3A_334, %dma_start3A_335] : memref<512x128xf32, #tpu.memory_space<vmem>> -> memref<128x128xf32, #tpu.memory_space<vmem>>
    %dma_start3A_337 = arith.constant 0 : i32
    %dma_start3A_338 = tpu.memref_slice %arg10[%dma_start3A_333, %dma_start3A_337] : memref<4x128xi32, #tpu.memory_space<vmem>> -> memref<1x128xi32, #tpu.memory_space<vmem>>
    %dma_start3A_339 = tpu.memref_squeeze %dma_start3A_338 : memref<1x128xi32, #tpu.memory_space<vmem>> -> memref<128xi32, #tpu.memory_space<vmem>>
    %dma_start3A_340 = arith.constant 0 : i32
    %dma_start3A_341 = arith.constant 0 : i32
    %dma_start3A_342 = tpu.memref_slice %arg13[%dma_start3A_340, %dma_start3A_341] : memref<1000x128xf32, #tpu.memory_space<vmem_shared>> -> memref<1000x128xf32, #tpu.memory_space<vmem_shared>>
    tpu.enqueue_indirect_dma source(%dma_start3A_342 : memref<1000x128xf32, #tpu.memory_space<vmem_shared>>) target(%dma_start3A_336 : memref<128x128xf32, #tpu.memory_space<vmem>>) offsets(%dma_start3A_339 : memref<128xi32, #tpu.memory_space<vmem>>) semaphore(%arg17 : memref<!tpu.dma_semaphore, #tpu.memory_space<semaphore_mem>>) {add = true}
    %dma_wait3A_343 = arith.constant 3 : i32
    %dma_wait3A_344 = arith.constant 384 : i32
    %dma_wait3A_345 = arith.constant 0 : i32
    %dma_wait3A_346 = tpu.memref_slice %arg12[%dma_wait3A_344, %dma_wait3A_345] : memref<512x128xf32, #tpu.memory_space<vmem>> -> memref<128x128xf32, #tpu.memory_space<vmem>>
    %dma_wait3A_347 = arith.constant 0 : i32
    %dma_wait3A_348 = tpu.memref_slice %arg9[%dma_wait3A_343, %dma_wait3A_347] : memref<4x128xi32, #tpu.memory_space<vmem>> -> memref<1x128xi32, #tpu.memory_space<vmem>>
    %dma_wait3A_349 = tpu.memref_squeeze %dma_wait3A_348 : memref<1x128xi32, #tpu.memory_space<vmem>> -> memref<128xi32, #tpu.memory_space<vmem>>
    %dma_wait3A_350 = arith.constant 0 : i32
    %dma_wait3A_351 = arith.constant 0 : i32
    %dma_wait3A_352 = tpu.memref_slice %arg2[%dma_wait3A_350, %dma_wait3A_351] : memref<100001x128xf32, #tpu.memory_space<hbm>> -> memref<100001x128xf32, #tpu.memory_space<hbm>>
    tpu.wait_indirect_dma semaphore(%arg16 : memref<!tpu.dma_semaphore, #tpu.memory_space<semaphore_mem>>) src(%dma_wait3A_352 : memref<100001x128xf32, #tpu.memory_space<hbm>>) dst(%dma_wait3A_346 : memref<128x128xf32, #tpu.memory_space<vmem>>)
    %dma_start3A_353 = arith.constant 3 : i32
    %dma_start3A_354 = arith.constant 384 : i32
    %dma_start3A_355 = arith.constant 0 : i32
    %dma_start3A_356 = tpu.memref_slice %arg12[%dma_start3A_354, %dma_start3A_355] : memref<512x128xf32, #tpu.memory_space<vmem>> -> memref<128x128xf32, #tpu.memory_space<vmem>>
    %dma_start3A_357 = arith.constant 0 : i32
    %dma_start3A_358 = tpu.memref_slice %arg10[%dma_start3A_353, %dma_start3A_357] : memref<4x128xi32, #tpu.memory_space<vmem>> -> memref<1x128xi32, #tpu.memory_space<vmem>>
    %dma_start3A_359 = tpu.memref_squeeze %dma_start3A_358 : memref<1x128xi32, #tpu.memory_space<vmem>> -> memref<128xi32, #tpu.memory_space<vmem>>
    %dma_start3A_360 = arith.constant 0 : i32
    %dma_start3A_361 = arith.constant 0 : i32
    %dma_start3A_362 = tpu.memref_slice %arg13[%dma_start3A_360, %dma_start3A_361] : memref<1000x128xf32, #tpu.memory_space<vmem_shared>> -> memref<1000x128xf32, #tpu.memory_space<vmem_shared>>
    tpu.enqueue_indirect_dma source(%dma_start3A_362 : memref<1000x128xf32, #tpu.memory_space<vmem_shared>>) target(%dma_start3A_356 : memref<128x128xf32, #tpu.memory_space<vmem>>) offsets(%dma_start3A_359 : memref<128xi32, #tpu.memory_space<vmem>>) semaphore(%arg17 : memref<!tpu.dma_semaphore, #tpu.memory_space<semaphore_mem>>) {add = true}
    %dma_wait3A_363 = arith.constant 0 : i32
    %dma_wait3A_364 = arith.constant 0 : i32
    %dma_wait3A_365 = arith.constant 0 : i32
    %dma_wait3A_366 = tpu.memref_slice %arg12[%dma_wait3A_364, %dma_wait3A_365] : memref<512x128xf32, #tpu.memory_space<vmem>> -> memref<128x128xf32, #tpu.memory_space<vmem>>
    %dma_wait3A_367 = arith.constant 0 : i32
    %dma_wait3A_368 = tpu.memref_slice %arg10[%dma_wait3A_363, %dma_wait3A_367] : memref<4x128xi32, #tpu.memory_space<vmem>> -> memref<1x128xi32, #tpu.memory_space<vmem>>
    %dma_wait3A_369 = tpu.memref_squeeze %dma_wait3A_368 : memref<1x128xi32, #tpu.memory_space<vmem>> -> memref<128xi32, #tpu.memory_space<vmem>>
    %dma_wait3A_370 = arith.constant 0 : i32
    %dma_wait3A_371 = arith.constant 0 : i32
    %dma_wait3A_372 = tpu.memref_slice %arg13[%dma_wait3A_370, %dma_wait3A_371] : memref<1000x128xf32, #tpu.memory_space<vmem_shared>> -> memref<1000x128xf32, #tpu.memory_space<vmem_shared>>
    tpu.wait_indirect_dma semaphore(%arg17 : memref<!tpu.dma_semaphore, #tpu.memory_space<semaphore_mem>>) src(%dma_wait3A_372 : memref<1000x128xf32, #tpu.memory_space<vmem_shared>>) dst(%dma_wait3A_366 : memref<128x128xf32, #tpu.memory_space<vmem>>)
    %dma_start3A_373 = arith.constant 0 : i32
    %dma_start3A_374 = arith.constant 0 : i32
    %dma_start3A_375 = arith.constant 0 : i32
    %dma_start3A_376 = tpu.memref_slice %arg12[%dma_start3A_374, %dma_start3A_375] : memref<512x128xf32, #tpu.memory_space<vmem>> -> memref<128x128xf32, #tpu.memory_space<vmem>>
    %dma_start3A_377 = arith.constant 0 : i32
    %dma_start3A_378 = tpu.memref_slice %arg11[%dma_start3A_373, %dma_start3A_377] : memref<4x128xi32, #tpu.memory_space<vmem>> -> memref<1x128xi32, #tpu.memory_space<vmem>>
    %dma_start3A_379 = tpu.memref_squeeze %dma_start3A_378 : memref<1x128xi32, #tpu.memory_space<vmem>> -> memref<128xi32, #tpu.memory_space<vmem>>
    %dma_start3A_380 = arith.constant 0 : i32
    %dma_start3A_381 = arith.constant 0 : i32
    %dma_start3A_382 = tpu.memref_slice %arg14[%dma_start3A_380, %dma_start3A_381] : memref<1000x128xf32, #tpu.memory_space<vmem_shared>> -> memref<1000x128xf32, #tpu.memory_space<vmem_shared>>
    tpu.enqueue_indirect_dma source(%dma_start3A_382 : memref<1000x128xf32, #tpu.memory_space<vmem_shared>>) target(%dma_start3A_376 : memref<128x128xf32, #tpu.memory_space<vmem>>) offsets(%dma_start3A_379 : memref<128xi32, #tpu.memory_space<vmem>>) semaphore(%arg18 : memref<!tpu.dma_semaphore, #tpu.memory_space<semaphore_mem>>) {add = true}
    %dma_wait3A_383 = arith.constant 1 : i32
    %dma_wait3A_384 = arith.constant 128 : i32
    %dma_wait3A_385 = arith.constant 0 : i32
    %dma_wait3A_386 = tpu.memref_slice %arg12[%dma_wait3A_384, %dma_wait3A_385] : memref<512x128xf32, #tpu.memory_space<vmem>> -> memref<128x128xf32, #tpu.memory_space<vmem>>
    %dma_wait3A_387 = arith.constant 0 : i32
    %dma_wait3A_388 = tpu.memref_slice %arg10[%dma_wait3A_383, %dma_wait3A_387] : memref<4x128xi32, #tpu.memory_space<vmem>> -> memref<1x128xi32, #tpu.memory_space<vmem>>
    %dma_wait3A_389 = tpu.memref_squeeze %dma_wait3A_388 : memref<1x128xi32, #tpu.memory_space<vmem>> -> memref<128xi32, #tpu.memory_space<vmem>>
    %dma_wait3A_390 = arith.constant 0 : i32
    %dma_wait3A_391 = arith.constant 0 : i32
    %dma_wait3A_392 = tpu.memref_slice %arg13[%dma_wait3A_390, %dma_wait3A_391] : memref<1000x128xf32, #tpu.memory_space<vmem_shared>> -> memref<1000x128xf32, #tpu.memory_space<vmem_shared>>
    tpu.wait_indirect_dma semaphore(%arg17 : memref<!tpu.dma_semaphore, #tpu.memory_space<semaphore_mem>>) src(%dma_wait3A_392 : memref<1000x128xf32, #tpu.memory_space<vmem_shared>>) dst(%dma_wait3A_386 : memref<128x128xf32, #tpu.memory_space<vmem>>)
    %dma_start3A_393 = arith.constant 1 : i32
    %dma_start3A_394 = arith.constant 128 : i32
    %dma_start3A_395 = arith.constant 0 : i32
    %dma_start3A_396 = tpu.memref_slice %arg12[%dma_start3A_394, %dma_start3A_395] : memref<512x128xf32, #tpu.memory_space<vmem>> -> memref<128x128xf32, #tpu.memory_space<vmem>>
    %dma_start3A_397 = arith.constant 0 : i32
    %dma_start3A_398 = tpu.memref_slice %arg11[%dma_start3A_393, %dma_start3A_397] : memref<4x128xi32, #tpu.memory_space<vmem>> -> memref<1x128xi32, #tpu.memory_space<vmem>>
    %dma_start3A_399 = tpu.memref_squeeze %dma_start3A_398 : memref<1x128xi32, #tpu.memory_space<vmem>> -> memref<128xi32, #tpu.memory_space<vmem>>
    %dma_start3A_400 = arith.constant 0 : i32
    %dma_start3A_401 = arith.constant 0 : i32
    %dma_start3A_402 = tpu.memref_slice %arg14[%dma_start3A_400, %dma_start3A_401] : memref<1000x128xf32, #tpu.memory_space<vmem_shared>> -> memref<1000x128xf32, #tpu.memory_space<vmem_shared>>
    tpu.enqueue_indirect_dma source(%dma_start3A_402 : memref<1000x128xf32, #tpu.memory_space<vmem_shared>>) target(%dma_start3A_396 : memref<128x128xf32, #tpu.memory_space<vmem>>) offsets(%dma_start3A_399 : memref<128xi32, #tpu.memory_space<vmem>>) semaphore(%arg18 : memref<!tpu.dma_semaphore, #tpu.memory_space<semaphore_mem>>) {add = true}
    %dma_wait3A_403 = arith.constant 2 : i32
    %dma_wait3A_404 = arith.constant 256 : i32
    %dma_wait3A_405 = arith.constant 0 : i32
    %dma_wait3A_406 = tpu.memref_slice %arg12[%dma_wait3A_404, %dma_wait3A_405] : memref<512x128xf32, #tpu.memory_space<vmem>> -> memref<128x128xf32, #tpu.memory_space<vmem>>
    %dma_wait3A_407 = arith.constant 0 : i32
    %dma_wait3A_408 = tpu.memref_slice %arg10[%dma_wait3A_403, %dma_wait3A_407] : memref<4x128xi32, #tpu.memory_space<vmem>> -> memref<1x128xi32, #tpu.memory_space<vmem>>
    %dma_wait3A_409 = tpu.memref_squeeze %dma_wait3A_408 : memref<1x128xi32, #tpu.memory_space<vmem>> -> memref<128xi32, #tpu.memory_space<vmem>>
    %dma_wait3A_410 = arith.constant 0 : i32
    %dma_wait3A_411 = arith.constant 0 : i32
    %dma_wait3A_412 = tpu.memref_slice %arg13[%dma_wait3A_410, %dma_wait3A_411] : memref<1000x128xf32, #tpu.memory_space<vmem_shared>> -> memref<1000x128xf32, #tpu.memory_space<vmem_shared>>
    tpu.wait_indirect_dma semaphore(%arg17 : memref<!tpu.dma_semaphore, #tpu.memory_space<semaphore_mem>>) src(%dma_wait3A_412 : memref<1000x128xf32, #tpu.memory_space<vmem_shared>>) dst(%dma_wait3A_406 : memref<128x128xf32, #tpu.memory_space<vmem>>)
    %dma_start3A_413 = arith.constant 2 : i32
    %dma_start3A_414 = arith.constant 256 : i32
    %dma_start3A_415 = arith.constant 0 : i32
    %dma_start3A_416 = tpu.memref_slice %arg12[%dma_start3A_414, %dma_start3A_415] : memref<512x128xf32, #tpu.memory_space<vmem>> -> memref<128x128xf32, #tpu.memory_space<vmem>>
    %dma_start3A_417 = arith.constant 0 : i32
    %dma_start3A_418 = tpu.memref_slice %arg11[%dma_start3A_413, %dma_start3A_417] : memref<4x128xi32, #tpu.memory_space<vmem>> -> memref<1x128xi32, #tpu.memory_space<vmem>>
    %dma_start3A_419 = tpu.memref_squeeze %dma_start3A_418 : memref<1x128xi32, #tpu.memory_space<vmem>> -> memref<128xi32, #tpu.memory_space<vmem>>
    %dma_start3A_420 = arith.constant 0 : i32
    %dma_start3A_421 = arith.constant 0 : i32
    %dma_start3A_422 = tpu.memref_slice %arg14[%dma_start3A_420, %dma_start3A_421] : memref<1000x128xf32, #tpu.memory_space<vmem_shared>> -> memref<1000x128xf32, #tpu.memory_space<vmem_shared>>
    tpu.enqueue_indirect_dma source(%dma_start3A_422 : memref<1000x128xf32, #tpu.memory_space<vmem_shared>>) target(%dma_start3A_416 : memref<128x128xf32, #tpu.memory_space<vmem>>) offsets(%dma_start3A_419 : memref<128xi32, #tpu.memory_space<vmem>>) semaphore(%arg18 : memref<!tpu.dma_semaphore, #tpu.memory_space<semaphore_mem>>) {add = true}
    %dma_wait3A_423 = arith.constant 3 : i32
    %dma_wait3A_424 = arith.constant 384 : i32
    %dma_wait3A_425 = arith.constant 0 : i32
    %dma_wait3A_426 = tpu.memref_slice %arg12[%dma_wait3A_424, %dma_wait3A_425] : memref<512x128xf32, #tpu.memory_space<vmem>> -> memref<128x128xf32, #tpu.memory_space<vmem>>
    %dma_wait3A_427 = arith.constant 0 : i32
    %dma_wait3A_428 = tpu.memref_slice %arg10[%dma_wait3A_423, %dma_wait3A_427] : memref<4x128xi32, #tpu.memory_space<vmem>> -> memref<1x128xi32, #tpu.memory_space<vmem>>
    %dma_wait3A_429 = tpu.memref_squeeze %dma_wait3A_428 : memref<1x128xi32, #tpu.memory_space<vmem>> -> memref<128xi32, #tpu.memory_space<vmem>>
    %dma_wait3A_430 = arith.constant 0 : i32
    %dma_wait3A_431 = arith.constant 0 : i32
    %dma_wait3A_432 = tpu.memref_slice %arg13[%dma_wait3A_430, %dma_wait3A_431] : memref<1000x128xf32, #tpu.memory_space<vmem_shared>> -> memref<1000x128xf32, #tpu.memory_space<vmem_shared>>
    tpu.wait_indirect_dma semaphore(%arg17 : memref<!tpu.dma_semaphore, #tpu.memory_space<semaphore_mem>>) src(%dma_wait3A_432 : memref<1000x128xf32, #tpu.memory_space<vmem_shared>>) dst(%dma_wait3A_426 : memref<128x128xf32, #tpu.memory_space<vmem>>)
    %dma_start3A_433 = arith.constant 3 : i32
    %dma_start3A_434 = arith.constant 384 : i32
    %dma_start3A_435 = arith.constant 0 : i32
    %dma_start3A_436 = tpu.memref_slice %arg12[%dma_start3A_434, %dma_start3A_435] : memref<512x128xf32, #tpu.memory_space<vmem>> -> memref<128x128xf32, #tpu.memory_space<vmem>>
    %dma_start3A_437 = arith.constant 0 : i32
    %dma_start3A_438 = tpu.memref_slice %arg11[%dma_start3A_433, %dma_start3A_437] : memref<4x128xi32, #tpu.memory_space<vmem>> -> memref<1x128xi32, #tpu.memory_space<vmem>>
    %dma_start3A_439 = tpu.memref_squeeze %dma_start3A_438 : memref<1x128xi32, #tpu.memory_space<vmem>> -> memref<128xi32, #tpu.memory_space<vmem>>
    %dma_start3A_440 = arith.constant 0 : i32
    %dma_start3A_441 = arith.constant 0 : i32
    %dma_start3A_442 = tpu.memref_slice %arg14[%dma_start3A_440, %dma_start3A_441] : memref<1000x128xf32, #tpu.memory_space<vmem_shared>> -> memref<1000x128xf32, #tpu.memory_space<vmem_shared>>
    tpu.enqueue_indirect_dma source(%dma_start3A_442 : memref<1000x128xf32, #tpu.memory_space<vmem_shared>>) target(%dma_start3A_436 : memref<128x128xf32, #tpu.memory_space<vmem>>) offsets(%dma_start3A_439 : memref<128xi32, #tpu.memory_space<vmem>>) semaphore(%arg18 : memref<!tpu.dma_semaphore, #tpu.memory_space<semaphore_mem>>) {add = true}
    %dma_wait3A_443 = arith.constant 0 : i32
    %dma_wait3A_444 = arith.constant 0 : i32
    %dma_wait3A_445 = arith.constant 0 : i32
    %dma_wait3A_446 = tpu.memref_slice %arg12[%dma_wait3A_444, %dma_wait3A_445] : memref<512x128xf32, #tpu.memory_space<vmem>> -> memref<128x128xf32, #tpu.memory_space<vmem>>
    %dma_wait3A_447 = arith.constant 0 : i32
    %dma_wait3A_448 = tpu.memref_slice %arg11[%dma_wait3A_443, %dma_wait3A_447] : memref<4x128xi32, #tpu.memory_space<vmem>> -> memref<1x128xi32, #tpu.memory_space<vmem>>
    %dma_wait3A_449 = tpu.memref_squeeze %dma_wait3A_448 : memref<1x128xi32, #tpu.memory_space<vmem>> -> memref<128xi32, #tpu.memory_space<vmem>>
    %dma_wait3A_450 = arith.constant 0 : i32
    %dma_wait3A_451 = arith.constant 0 : i32
    %dma_wait3A_452 = tpu.memref_slice %arg14[%dma_wait3A_450, %dma_wait3A_451] : memref<1000x128xf32, #tpu.memory_space<vmem_shared>> -> memref<1000x128xf32, #tpu.memory_space<vmem_shared>>
    tpu.wait_indirect_dma semaphore(%arg18 : memref<!tpu.dma_semaphore, #tpu.memory_space<semaphore_mem>>) src(%dma_wait3A_452 : memref<1000x128xf32, #tpu.memory_space<vmem_shared>>) dst(%dma_wait3A_446 : memref<128x128xf32, #tpu.memory_space<vmem>>)
    %add3A_453 = arith.constant 0 : i32
    %add3A_454 = arith.addi %mul3A_2, %add3A_453 : i32
    %dma_start3A_455 = arith.constant 0 : i32
    %dma_start3A_456 = arith.constant 0 : i32
    %dma_start3A_457 = tpu.memref_slice %arg12[%dma_start3A_455, %dma_start3A_456] : memref<512x128xf32, #tpu.memory_space<vmem>> -> memref<128x128xf32, #tpu.memory_space<vmem>>
    %dma_start3A_458 = arith.constant 0 : i32
    %dma_start3A_459 = tpu.memref_slice %arg8[%add3A_454, %dma_start3A_458] : memref<16384x128xf32, #tpu.memory_space<hbm>> -> memref<128x128xf32, #tpu.memory_space<hbm>>
    %dma_start3A_460 = arith.constant 0 : i32
    %dma_start3A_461 = tpu.memref_slice %arg8[%add3A_454, %dma_start3A_460] : memref<16384x128xf32, #tpu.memory_space<hbm>> -> memref<128x128xf32, #tpu.memory_space<hbm>>
    %dma_start3A_462 = arith.constant 0 : i32
    %dma_start3A_463 = arith.constant 0 : i32
    %dma_start3A_464 = tpu.memref_slice %arg12[%dma_start3A_462, %dma_start3A_463] : memref<512x128xf32, #tpu.memory_space<vmem>> -> memref<128x128xf32, #tpu.memory_space<vmem>>
    tpu.enqueue_dma source(%dma_start3A_464 : memref<128x128xf32, #tpu.memory_space<vmem>>) target(%dma_start3A_461 : memref<128x128xf32, #tpu.memory_space<hbm>>) target_semaphore(%arg19 : memref<!tpu.dma_semaphore, #tpu.memory_space<semaphore_mem>>)
    %dma_wait3A_465 = arith.constant 1 : i32
    %dma_wait3A_466 = arith.constant 128 : i32
    %dma_wait3A_467 = arith.constant 0 : i32
    %dma_wait3A_468 = tpu.memref_slice %arg12[%dma_wait3A_466, %dma_wait3A_467] : memref<512x128xf32, #tpu.memory_space<vmem>> -> memref<128x128xf32, #tpu.memory_space<vmem>>
    %dma_wait3A_469 = arith.constant 0 : i32
    %dma_wait3A_470 = tpu.memref_slice %arg11[%dma_wait3A_465, %dma_wait3A_469] : memref<4x128xi32, #tpu.memory_space<vmem>> -> memref<1x128xi32, #tpu.memory_space<vmem>>
    %dma_wait3A_471 = tpu.memref_squeeze %dma_wait3A_470 : memref<1x128xi32, #tpu.memory_space<vmem>> -> memref<128xi32, #tpu.memory_space<vmem>>
    %dma_wait3A_472 = arith.constant 0 : i32
    %dma_wait3A_473 = arith.constant 0 : i32
    %dma_wait3A_474 = tpu.memref_slice %arg14[%dma_wait3A_472, %dma_wait3A_473] : memref<1000x128xf32, #tpu.memory_space<vmem_shared>> -> memref<1000x128xf32, #tpu.memory_space<vmem_shared>>
    tpu.wait_indirect_dma semaphore(%arg18 : memref<!tpu.dma_semaphore, #tpu.memory_space<semaphore_mem>>) src(%dma_wait3A_474 : memref<1000x128xf32, #tpu.memory_space<vmem_shared>>) dst(%dma_wait3A_468 : memref<128x128xf32, #tpu.memory_space<vmem>>)
    %add3A_475 = arith.constant 128 : i32
    %add3A_476 = arith.addi %mul3A_2, %add3A_475 : i32
    %dma_start3A_477 = arith.constant 128 : i32
    %dma_start3A_478 = arith.constant 0 : i32
    %dma_start3A_479 = tpu.memref_slice %arg12[%dma_start3A_477, %dma_start3A_478] : memref<512x128xf32, #tpu.memory_space<vmem>> -> memref<128x128xf32, #tpu.memory_space<vmem>>
    %dma_start3A_480 = arith.constant 0 : i32
    %dma_start3A_481 = tpu.memref_slice %arg8[%add3A_476, %dma_start3A_480] : memref<16384x128xf32, #tpu.memory_space<hbm>> -> memref<128x128xf32, #tpu.memory_space<hbm>>
    %dma_start3A_482 = arith.constant 0 : i32
    %dma_start3A_483 = tpu.memref_slice %arg8[%add3A_476, %dma_start3A_482] : memref<16384x128xf32, #tpu.memory_space<hbm>> -> memref<128x128xf32, #tpu.memory_space<hbm>>
    %dma_start3A_484 = arith.constant 128 : i32
    %dma_start3A_485 = arith.constant 0 : i32
    %dma_start3A_486 = tpu.memref_slice %arg12[%dma_start3A_484, %dma_start3A_485] : memref<512x128xf32, #tpu.memory_space<vmem>> -> memref<128x128xf32, #tpu.memory_space<vmem>>
    tpu.enqueue_dma source(%dma_start3A_486 : memref<128x128xf32, #tpu.memory_space<vmem>>) target(%dma_start3A_483 : memref<128x128xf32, #tpu.memory_space<hbm>>) target_semaphore(%arg19 : memref<!tpu.dma_semaphore, #tpu.memory_space<semaphore_mem>>)
    %dma_wait3A_487 = arith.constant 2 : i32
    %dma_wait3A_488 = arith.constant 256 : i32
    %dma_wait3A_489 = arith.constant 0 : i32
    %dma_wait3A_490 = tpu.memref_slice %arg12[%dma_wait3A_488, %dma_wait3A_489] : memref<512x128xf32, #tpu.memory_space<vmem>> -> memref<128x128xf32, #tpu.memory_space<vmem>>
    %dma_wait3A_491 = arith.constant 0 : i32
    %dma_wait3A_492 = tpu.memref_slice %arg11[%dma_wait3A_487, %dma_wait3A_491] : memref<4x128xi32, #tpu.memory_space<vmem>> -> memref<1x128xi32, #tpu.memory_space<vmem>>
    %dma_wait3A_493 = tpu.memref_squeeze %dma_wait3A_492 : memref<1x128xi32, #tpu.memory_space<vmem>> -> memref<128xi32, #tpu.memory_space<vmem>>
    %dma_wait3A_494 = arith.constant 0 : i32
    %dma_wait3A_495 = arith.constant 0 : i32
    %dma_wait3A_496 = tpu.memref_slice %arg14[%dma_wait3A_494, %dma_wait3A_495] : memref<1000x128xf32, #tpu.memory_space<vmem_shared>> -> memref<1000x128xf32, #tpu.memory_space<vmem_shared>>
    tpu.wait_indirect_dma semaphore(%arg18 : memref<!tpu.dma_semaphore, #tpu.memory_space<semaphore_mem>>) src(%dma_wait3A_496 : memref<1000x128xf32, #tpu.memory_space<vmem_shared>>) dst(%dma_wait3A_490 : memref<128x128xf32, #tpu.memory_space<vmem>>)
    %add3A_497 = arith.constant 256 : i32
    %add3A_498 = arith.addi %mul3A_2, %add3A_497 : i32
    %dma_start3A_499 = arith.constant 256 : i32
    %dma_start3A_500 = arith.constant 0 : i32
    %dma_start3A_501 = tpu.memref_slice %arg12[%dma_start3A_499, %dma_start3A_500] : memref<512x128xf32, #tpu.memory_space<vmem>> -> memref<128x128xf32, #tpu.memory_space<vmem>>
    %dma_start3A_502 = arith.constant 0 : i32
    %dma_start3A_503 = tpu.memref_slice %arg8[%add3A_498, %dma_start3A_502] : memref<16384x128xf32, #tpu.memory_space<hbm>> -> memref<128x128xf32, #tpu.memory_space<hbm>>
    %dma_start3A_504 = arith.constant 0 : i32
    %dma_start3A_505 = tpu.memref_slice %arg8[%add3A_498, %dma_start3A_504] : memref<16384x128xf32, #tpu.memory_space<hbm>> -> memref<128x128xf32, #tpu.memory_space<hbm>>
    %dma_start3A_506 = arith.constant 256 : i32
    %dma_start3A_507 = arith.constant 0 : i32
    %dma_start3A_508 = tpu.memref_slice %arg12[%dma_start3A_506, %dma_start3A_507] : memref<512x128xf32, #tpu.memory_space<vmem>> -> memref<128x128xf32, #tpu.memory_space<vmem>>
    tpu.enqueue_dma source(%dma_start3A_508 : memref<128x128xf32, #tpu.memory_space<vmem>>) target(%dma_start3A_505 : memref<128x128xf32, #tpu.memory_space<hbm>>) target_semaphore(%arg19 : memref<!tpu.dma_semaphore, #tpu.memory_space<semaphore_mem>>)
    %dma_wait3A_509 = arith.constant 3 : i32
    %dma_wait3A_510 = arith.constant 384 : i32
    %dma_wait3A_511 = arith.constant 0 : i32
    %dma_wait3A_512 = tpu.memref_slice %arg12[%dma_wait3A_510, %dma_wait3A_511] : memref<512x128xf32, #tpu.memory_space<vmem>> -> memref<128x128xf32, #tpu.memory_space<vmem>>
    %dma_wait3A_513 = arith.constant 0 : i32
    %dma_wait3A_514 = tpu.memref_slice %arg11[%dma_wait3A_509, %dma_wait3A_513] : memref<4x128xi32, #tpu.memory_space<vmem>> -> memref<1x128xi32, #tpu.memory_space<vmem>>
    %dma_wait3A_515 = tpu.memref_squeeze %dma_wait3A_514 : memref<1x128xi32, #tpu.memory_space<vmem>> -> memref<128xi32, #tpu.memory_space<vmem>>
    %dma_wait3A_516 = arith.constant 0 : i32
    %dma_wait3A_517 = arith.constant 0 : i32
    %dma_wait3A_518 = tpu.memref_slice %arg14[%dma_wait3A_516, %dma_wait3A_517] : memref<1000x128xf32, #tpu.memory_space<vmem_shared>> -> memref<1000x128xf32, #tpu.memory_space<vmem_shared>>
    tpu.wait_indirect_dma semaphore(%arg18 : memref<!tpu.dma_semaphore, #tpu.memory_space<semaphore_mem>>) src(%dma_wait3A_518 : memref<1000x128xf32, #tpu.memory_space<vmem_shared>>) dst(%dma_wait3A_512 : memref<128x128xf32, #tpu.memory_space<vmem>>)
    %add3A_519 = arith.constant 384 : i32
    %add3A_520 = arith.addi %mul3A_2, %add3A_519 : i32
    %dma_start3A_521 = arith.constant 384 : i32
    %dma_start3A_522 = arith.constant 0 : i32
    %dma_start3A_523 = tpu.memref_slice %arg12[%dma_start3A_521, %dma_start3A_522] : memref<512x128xf32, #tpu.memory_space<vmem>> -> memref<128x128xf32, #tpu.memory_space<vmem>>
    %dma_start3A_524 = arith.constant 0 : i32
    %dma_start3A_525 = tpu.memref_slice %arg8[%add3A_520, %dma_start3A_524] : memref<16384x128xf32, #tpu.memory_space<hbm>> -> memref<128x128xf32, #tpu.memory_space<hbm>>
    %dma_start3A_526 = arith.constant 0 : i32
    %dma_start3A_527 = tpu.memref_slice %arg8[%add3A_520, %dma_start3A_526] : memref<16384x128xf32, #tpu.memory_space<hbm>> -> memref<128x128xf32, #tpu.memory_space<hbm>>
    %dma_start3A_528 = arith.constant 384 : i32
    %dma_start3A_529 = arith.constant 0 : i32
    %dma_start3A_530 = tpu.memref_slice %arg12[%dma_start3A_528, %dma_start3A_529] : memref<512x128xf32, #tpu.memory_space<vmem>> -> memref<128x128xf32, #tpu.memory_space<vmem>>
    tpu.enqueue_dma source(%dma_start3A_530 : memref<128x128xf32, #tpu.memory_space<vmem>>) target(%dma_start3A_527 : memref<128x128xf32, #tpu.memory_space<hbm>>) target_semaphore(%arg19 : memref<!tpu.dma_semaphore, #tpu.memory_space<semaphore_mem>>)
    %dma_wait3A_531 = arith.constant 0 : i32
    %dma_wait3A_532 = arith.constant 0 : i32
    %dma_wait3A_533 = tpu.memref_slice %arg12[%dma_wait3A_531, %dma_wait3A_532] : memref<512x128xf32, #tpu.memory_space<vmem>> -> memref<128x128xf32, #tpu.memory_space<vmem>>
    %dma_wait3A_534 = arith.constant 0 : i32
    %dma_wait3A_535 = tpu.memref_slice %arg8[%add3A_454, %dma_wait3A_534] : memref<16384x128xf32, #tpu.memory_space<hbm>> -> memref<128x128xf32, #tpu.memory_space<hbm>>
    %dma_wait3A_536 = arith.constant 0 : i32
    %dma_wait3A_537 = tpu.memref_slice %arg8[%add3A_454, %dma_wait3A_536] : memref<16384x128xf32, #tpu.memory_space<hbm>> -> memref<128x128xf32, #tpu.memory_space<hbm>>
    %dma_wait3A_538 = arith.constant 0 : i32
    %dma_wait3A_539 = arith.constant 0 : i32
    %dma_wait3A_540 = tpu.memref_slice %arg12[%dma_wait3A_538, %dma_wait3A_539] : memref<512x128xf32, #tpu.memory_space<vmem>> -> memref<128x128xf32, #tpu.memory_space<vmem>>
    tpu.wait_dma2 semaphore(%arg19 : memref<!tpu.dma_semaphore, #tpu.memory_space<semaphore_mem>>) src(%dma_wait3A_540 : memref<128x128xf32, #tpu.memory_space<vmem>>) dst(%dma_wait3A_537 : memref<128x128xf32, #tpu.memory_space<hbm>>)
    %dma_wait3A_541 = arith.constant 128 : i32
    %dma_wait3A_542 = arith.constant 0 : i32
    %dma_wait3A_543 = tpu.memref_slice %arg12[%dma_wait3A_541, %dma_wait3A_542] : memref<512x128xf32, #tpu.memory_space<vmem>> -> memref<128x128xf32, #tpu.memory_space<vmem>>
    %dma_wait3A_544 = arith.constant 0 : i32
    %dma_wait3A_545 = tpu.memref_slice %arg8[%add3A_476, %dma_wait3A_544] : memref<16384x128xf32, #tpu.memory_space<hbm>> -> memref<128x128xf32, #tpu.memory_space<hbm>>
    %dma_wait3A_546 = arith.constant 0 : i32
    %dma_wait3A_547 = tpu.memref_slice %arg8[%add3A_476, %dma_wait3A_546] : memref<16384x128xf32, #tpu.memory_space<hbm>> -> memref<128x128xf32, #tpu.memory_space<hbm>>
    %dma_wait3A_548 = arith.constant 128 : i32
    %dma_wait3A_549 = arith.constant 0 : i32
    %dma_wait3A_550 = tpu.memref_slice %arg12[%dma_wait3A_548, %dma_wait3A_549] : memref<512x128xf32, #tpu.memory_space<vmem>> -> memref<128x128xf32, #tpu.memory_space<vmem>>
    tpu.wait_dma2 semaphore(%arg19 : memref<!tpu.dma_semaphore, #tpu.memory_space<semaphore_mem>>) src(%dma_wait3A_550 : memref<128x128xf32, #tpu.memory_space<vmem>>) dst(%dma_wait3A_547 : memref<128x128xf32, #tpu.memory_space<hbm>>)
    %dma_wait3A_551 = arith.constant 256 : i32
    %dma_wait3A_552 = arith.constant 0 : i32
    %dma_wait3A_553 = tpu.memref_slice %arg12[%dma_wait3A_551, %dma_wait3A_552] : memref<512x128xf32, #tpu.memory_space<vmem>> -> memref<128x128xf32, #tpu.memory_space<vmem>>
    %dma_wait3A_554 = arith.constant 0 : i32
    %dma_wait3A_555 = tpu.memref_slice %arg8[%add3A_498, %dma_wait3A_554] : memref<16384x128xf32, #tpu.memory_space<hbm>> -> memref<128x128xf32, #tpu.memory_space<hbm>>
    %dma_wait3A_556 = arith.constant 0 : i32
    %dma_wait3A_557 = tpu.memref_slice %arg8[%add3A_498, %dma_wait3A_556] : memref<16384x128xf32, #tpu.memory_space<hbm>> -> memref<128x128xf32, #tpu.memory_space<hbm>>
    %dma_wait3A_558 = arith.constant 256 : i32
    %dma_wait3A_559 = arith.constant 0 : i32
    %dma_wait3A_560 = tpu.memref_slice %arg12[%dma_wait3A_558, %dma_wait3A_559] : memref<512x128xf32, #tpu.memory_space<vmem>> -> memref<128x128xf32, #tpu.memory_space<vmem>>
    tpu.wait_dma2 semaphore(%arg19 : memref<!tpu.dma_semaphore, #tpu.memory_space<semaphore_mem>>) src(%dma_wait3A_560 : memref<128x128xf32, #tpu.memory_space<vmem>>) dst(%dma_wait3A_557 : memref<128x128xf32, #tpu.memory_space<hbm>>)
    %dma_wait3A_561 = arith.constant 384 : i32
    %dma_wait3A_562 = arith.constant 0 : i32
    %dma_wait3A_563 = tpu.memref_slice %arg12[%dma_wait3A_561, %dma_wait3A_562] : memref<512x128xf32, #tpu.memory_space<vmem>> -> memref<128x128xf32, #tpu.memory_space<vmem>>
    %dma_wait3A_564 = arith.constant 0 : i32
    %dma_wait3A_565 = tpu.memref_slice %arg8[%add3A_520, %dma_wait3A_564] : memref<16384x128xf32, #tpu.memory_space<hbm>> -> memref<128x128xf32, #tpu.memory_space<hbm>>
    %dma_wait3A_566 = arith.constant 0 : i32
    %dma_wait3A_567 = tpu.memref_slice %arg8[%add3A_520, %dma_wait3A_566] : memref<16384x128xf32, #tpu.memory_space<hbm>> -> memref<128x128xf32, #tpu.memory_space<hbm>>
    %dma_wait3A_568 = arith.constant 384 : i32
    %dma_wait3A_569 = arith.constant 0 : i32
    %dma_wait3A_570 = tpu.memref_slice %arg12[%dma_wait3A_568, %dma_wait3A_569] : memref<512x128xf32, #tpu.memory_space<vmem>> -> memref<128x128xf32, #tpu.memory_space<vmem>>
    tpu.wait_dma2 semaphore(%arg19 : memref<!tpu.dma_semaphore, #tpu.memory_space<semaphore_mem>>) src(%dma_wait3A_570 : memref<128x128xf32, #tpu.memory_space<vmem>>) dst(%dma_wait3A_567 : memref<128x128xf32, #tpu.memory_space<hbm>>)
    return
  }
}

module attributes {stable_mosaic.version = 14 : i64} {
  func.func @_mlp_body(%arg0: i32, %arg1: memref<16384x128xf32, #tpu.memory_space<vmem>>, %arg2: memref<128x128xf32, #tpu.memory_space<vmem>>, %arg3: memref<1x128xf32, #tpu.memory_space<vmem>>, %arg4: memref<128x128xf32, #tpu.memory_space<vmem>>, %arg5: memref<1x128xf32, #tpu.memory_space<vmem>>, %arg6: memref<16384x128xf32, #tpu.memory_space<vmem>>) attributes {dimension_semantics = [#tpu.dimension_semantics<arbitrary>], iteration_bounds = array<i64: 1>, scalar_prefetch = 0 : i64, scratch_operands = 0 : i64, tpu.core_type = #tpu.core_type<tc>, window_params = [{transform_indices = @transform_0, window_bounds = array<i64: 16384, 128>}, {pipeline_mode = #tpu.pipeline_mode<synchronous>, transform_indices = @transform_1, window_bounds = array<i64: 128, 128>}, {pipeline_mode = #tpu.pipeline_mode<synchronous>, transform_indices = @transform_2, window_bounds = array<i64: 1, 128>}, {pipeline_mode = #tpu.pipeline_mode<synchronous>, transform_indices = @transform_3, window_bounds = array<i64: 128, 128>}, {pipeline_mode = #tpu.pipeline_mode<synchronous>, transform_indices = @transform_4, window_bounds = array<i64: 1, 128>}, {transform_indices = @transform_5, window_bounds = array<i64: 16384, 128>}]} {
    %get3A = arith.constant 0 : index
    %get3A_0 = arith.constant 0 : index
    %get3A_1 = vector.load %arg1[%get3A, %get3A_0] : memref<16384x128xf32, #tpu.memory_space<vmem>>, vector<16384x128xf32>
    %get3A_2 = arith.constant 0 : index
    %get3A_3 = arith.constant 0 : index
    %get3A_4 = vector.load %arg2[%get3A_2, %get3A_3] : memref<128x128xf32, #tpu.memory_space<vmem>>, vector<128x128xf32>
    %dot_general3A = arith.constant dense<0.000000e+00> : vector<16384x128xf32>
    %dot_general3A_5 = tpu.matmul %get3A_1, %get3A_4, %dot_general3A {dimension_numbers = #tpu.dot_dimension_numbers<[1], [0], [0], [1], [0, 0, 1, 1], [], []>, transpose_lhs_hint = false} : vector<16384x128xf32>, vector<128x128xf32>, vector<16384x128xf32> -> vector<16384x128xf32>
    %get3A_6 = arith.constant 0 : index
    %get3A_7 = arith.constant 0 : index
    %get3A_8 = vector.load %arg3[%get3A_6, %get3A_7] : memref<1x128xf32, #tpu.memory_space<vmem>>, vector<1x128xf32>
    %add3A = vector.broadcast %get3A_8 : vector<1x128xf32> to vector<16384x128xf32>
    %add3A_9 = arith.addf %dot_general3A_5, %add3A : vector<16384x128xf32>
    %logistic3A = arith.negf %add3A_9 : vector<16384x128xf32>
    %logistic3A_10 = math.exp %logistic3A : vector<16384x128xf32>
    %logistic3A_11 = arith.constant 1.000000e+00 : f32
    %logistic3A_12 = vector.broadcast %logistic3A_11 : f32 to vector<16384x128xf32>
    %logistic3A_13 = arith.addf %logistic3A_12, %logistic3A_10 : vector<16384x128xf32>
    %logistic3A_14 = arith.divf %logistic3A_12, %logistic3A_13 : vector<16384x128xf32>
    %mul3A = arith.mulf %add3A_9, %logistic3A_14 : vector<16384x128xf32>
    %get3A_15 = arith.constant 0 : index
    %get3A_16 = arith.constant 0 : index
    %get3A_17 = vector.load %arg4[%get3A_15, %get3A_16] : memref<128x128xf32, #tpu.memory_space<vmem>>, vector<128x128xf32>
    %dot_general3A_18 = arith.constant dense<0.000000e+00> : vector<16384x128xf32>
    %dot_general3A_19 = tpu.matmul %mul3A, %get3A_17, %dot_general3A_18 {dimension_numbers = #tpu.dot_dimension_numbers<[1], [0], [0], [1], [0, 0, 1, 1], [], []>, transpose_lhs_hint = false} : vector<16384x128xf32>, vector<128x128xf32>, vector<16384x128xf32> -> vector<16384x128xf32>
    %get3A_20 = arith.constant 0 : index
    %get3A_21 = arith.constant 0 : index
    %get3A_22 = vector.load %arg5[%get3A_20, %get3A_21] : memref<1x128xf32, #tpu.memory_space<vmem>>, vector<1x128xf32>
    %add3A_23 = vector.broadcast %get3A_22 : vector<1x128xf32> to vector<16384x128xf32>
    %add3A_24 = arith.addf %dot_general3A_19, %add3A_23 : vector<16384x128xf32>
    %swap3A = arith.constant 0 : index
    %swap3A_25 = arith.constant 0 : index
    %swap3A_26 = vector.load %arg6[%swap3A, %swap3A_25] : memref<16384x128xf32, #tpu.memory_space<vmem>>, vector<16384x128xf32>
    tpu.vector_store %arg6[%swap3A, %swap3A_25], %add3A_24 {strides = array<i32>} : memref<16384x128xf32, #tpu.memory_space<vmem>>, vector<16384x128xf32>,
    return
  }
  func.func @transform_0(%arg0: i32) -> (i32, i32) {
    %c0_i32 = arith.constant 0 : i32
    %c0_i32_0 = arith.constant 0 : i32
    return %arg0, %c0_i32 : i32, i32
  }
  func.func @transform_1(%arg0: i32) -> (i32, i32) {
    %c0_i32 = arith.constant 0 : i32
    %c0_i32_0 = arith.constant 0 : i32
    %c0_i32_1 = arith.constant 0 : i32
    return %c0_i32, %c0_i32_0 : i32, i32
  }
  func.func @transform_2(%arg0: i32) -> (i32, i32) {
    %c0_i32 = arith.constant 0 : i32
    %c0_i32_0 = arith.constant 0 : i32
    %c0_i32_1 = arith.constant 0 : i32
    return %c0_i32, %c0_i32_0 : i32, i32
  }
  func.func @transform_3(%arg0: i32) -> (i32, i32) {
    %c0_i32 = arith.constant 0 : i32
    %c0_i32_0 = arith.constant 0 : i32
    %c0_i32_1 = arith.constant 0 : i32
    return %c0_i32, %c0_i32_0 : i32, i32
  }
  func.func @transform_4(%arg0: i32) -> (i32, i32) {
    %c0_i32 = arith.constant 0 : i32
    %c0_i32_0 = arith.constant 0 : i32
    %c0_i32_1 = arith.constant 0 : i32
    return %c0_i32, %c0_i32_0 : i32, i32
  }
  func.func @transform_5(%arg0: i32) -> (i32, i32) {
    %c0_i32 = arith.constant 0 : i32
    %c0_i32_0 = arith.constant 0 : i32
    return %arg0, %c0_i32 : i32, i32
  }
}

</mosaic_0001>

<sc_bundles>
// kernel: kernel.4.cloned.1.call-start
scs
__scs_entry_jumppad:
0x0: {  	(pc) =	sbr.rel $0x88, $3  }
0x1: {  	(tag) =	ssettag $0x0;
	lr =	simm.s32 $0x1  }
0x2: {  	[smem:$0x3F97] =	sst lr;
	_ =	strace $0xD0000000  }
0x3: {  	_ = 	snop  }
0x4: {  	_ = 	snop  }
0x5: {  	_ = 	snop  }
0x6: {  	_ = 	snop  }
0x7: {  	_ = 	snop  }
__scs_overlays_trampoline_lowered:
0x8: {  	[smem:$0x3FA6] =	sst s0  }
0x9: {  	[smem:$0x3FA7] =	sst s1  }
0xa: {  	[smem:$0x3FA8] =	sst s2  }
0xb: {  	[smem:$0x3FA9] =	sst s3  }
0xc: {  	[smem:$0x3FAA] =	sst s4  }
0xd: {  	[smem:$0x3FAB] =	sst s5  }
0xe: {  	[smem:$0x3FAC] =	sst s6  }
0xf: {  	[smem:$0x3FAD] =	sst s7  }
0x10: {  	[smem:$0x3FAE] =	sst s8  }
0x11: {  	[smem:$0x3FAF] =	sst s9;
	s0 =	simm.s32 @!p0 $0x0  }
0x12: {  	s1 =	sld [smem:$0x3F95];
	s0 =	simm.s32 @p0 $0x1  }
0x13: {  	[smem:$0x3FB0] =	sst s0;
	s0 =	simm.s32 @!p1 $0x0  }
0x14: {  	s2 =	sld [smem:$0x3F94];
	s0 =	simm.s32 @p1 $0x1  }
0x15: {  	[smem:$0x3FB1] =	sst s0;
	s0 =	simm.s32 @!p2 $0x0  }
0x16: {  	s3 =	sld [smem:$0x3FDB];
	s0 =	simm.s32 @p2 $0x1  }
0x17: {  	s4 =	simm.s32 $0x1BF5;
	[smem:$0x3FB3] =	sst s0  }
0x18: {  	s0 =	sld [smem:$0x3F96];
	_ =	swait.ge [sflag:s4], $0x0  }
0x19: {  	s7 =	sld [smem:$0x3F97]  }
0x1a: {  	s8 =	sadd.s32 $0xFFFFE003, lr  }
0x1b: {  	s9 =	sadd.s32 $0xFFFFFEF7, lr;
	s5 =	simm.s32 $0xFFFFFFFF;
	p2 =	slt.u32 s8, $0xFFFFF086  }
0x1c: {  	p1 =	slt.u32 s9, $0xF7A;
	s5 =	simm.s32 @!p2 $0x0  }
0x1d: {  	s5 =	simm.s32 @p1 $0x1;
	p0 =	seq.s32 s7, s2  }
0x1e: {  	s7 =	smul.u32 @!p0 $0xF7A, s2;
	p2 =	seq.s32 @!p0 s5, $0x0  }
0x1f: {  	s9 =	smul.u32 $0xF7A, s1;
	s8 =	simm.s32 @!p0 $0x1BF5;
	p2 =	por !p2, p0  }
0x20: {  	[sflag:s8] =	ssyncset.s32 @!p0 $0xFFFFF086;
	s6 =	sadd.s32 @!p0 s3, s7;
	s7 =	simm.s32 @!p0 $0x108  }
0x21: {  	s3 =	sadd.s32 s3, s9;
	s6 =	sadd.s32 @!p0 $0x88, s6;
	s7 =	simm.s32 @p2 $0x1082  }
0x22: {  	[simem:s7], [sflag:s8] =	dma.local @!p0 [hbm:s6], $0xF7A  }
0x23: {  	s9 =	sor.u32 $0xD0000000, s2;
	s6 =	simm.s32 $0x108;
	_ =	swait.ge @!p0 [sflag:s8], $0x0  }
0x24: {  	s3 =	sadd.s32 $0x88, s3;
	s6 =	simm.s32 @!p1 $0x1082;
	[sflag:s4] =	ssyncset.s32 $0xFFFFF086  }
0x25: {  	[simem:s6], [sflag:s4] =	dma.local [hbm:s3], $0xF7A  }
0x26: {  	[smem:$0x3F97] =	sst s1;
	(tag) =	ssettag s2;
	_ =	strace s9  }
0x27: {  	s1 =	sld [smem:$0x3FA7]  }
0x28: {  	s2 =	sld [smem:$0x3FA8]  }
0x29: {  	s4 =	sld [smem:$0x3FAA]  }
0x2a: {  	p0 =	seq.s32 s5, $0x0;
	s5 =	sld [smem:$0x3FAB]  }
0x2b: {  	s6 =	sld [smem:$0x3FAC]  }
0x2c: {  	s7 =	sld [smem:$0x3FAD]  }
0x2d: {  	s3 =	simm.s32 $0x108;
	s8 =	sld [smem:$0x3FAE]  }
0x2e: {  	s3 =	simm.s32 @!p0 $0x1082;
	s9 =	sld [smem:$0x3FAF]  }
0x2f: {  	lr =	sadd.s32 s0, s3;
	s0 =	sld [smem:$0x3FA6]  }
0x30: {  	s3 =	sld [smem:$0x3FA9]  }
0x31: {  	[smem:$0x3FB2] =	sst s10  }
0x32: {  	s10 =	sld [smem:$0x3FB0];
	_ =	sdelay $0x3  }
0x33: {  	p0 =	seq.s32 s10, $0x1;
	s10 =	sld [smem:$0x3FB2];
	_ =	sdelay $0x3  }
0x34: {  	[smem:$0x3FB2] =	sst s10  }
0x35: {  	s10 =	sld [smem:$0x3FB1];
	_ =	sdelay $0x3  }
0x36: {  	p1 =	seq.s32 s10, $0x1;
	s10 =	sld [smem:$0x3FB2];
	_ =	sdelay $0x3  }
0x37: {  	[smem:$0x3FB2] =	sst s10  }
0x38: {  	s10 =	sld [smem:$0x3FB3]  }
0x39: {  	_ = 	snop;
	(pc) =	sbr.ind lr, $3  }
0x3a: {  	_ = 	snop  }
0x3b: {  	_ = 	snop  }
0x3c: {  	p2 =	seq.s32 s10, $0x1;
	s10 =	sld [smem:$0x3FB2]  }
0x3d: {  	_ =	shalt  }
0x3e: {  	_ =	shalt  }
0x3f: {  	_ =	shalt  }
0x40: {  	_ =	shalt  }
0x41: {  	_ =	shalt  }
0x42: {  	_ =	shalt  }
0x43: {  	_ =	shalt  }
0x44: {  	_ =	shalt  }
0x45: {  	_ =	shalt  }
0x46: {  	_ =	shalt  }
0x47: {  	_ =	shalt  }
0x48: {  	_ =	shalt  }
0x49: {  	_ =	shalt  }
0x4a: {  	_ =	shalt  }
0x4b: {  	_ =	shalt  }
0x4c: {  	_ =	shalt  }
0x4d: {  	_ =	shalt  }
0x4e: {  	_ =	shalt  }
0x4f: {  	_ =	shalt  }
0x50: {  	_ =	shalt  }
0x51: {  	_ =	shalt  }
0x52: {  	_ =	shalt  }
0x53: {  	_ =	shalt  }
0x54: {  	_ =	shalt  }
0x55: {  	_ =	shalt  }
0x56: {  	_ =	shalt  }
0x57: {  	_ =	shalt  }
0x58: {  	_ =	shalt  }
0x59: {  	_ =	shalt  }
0x5a: {  	_ =	shalt  }
0x5b: {  	_ =	shalt  }
0x5c: {  	_ =	shalt  }
0x5d: {  	_ =	shalt  }
0x5e: {  	_ =	shalt  }
0x5f: {  	_ =	shalt  }
0x60: {  	_ =	shalt  }
0x61: {  	_ =	shalt  }
0x62: {  	_ =	shalt  }
0x63: {  	_ =	shalt  }
0x64: {  	_ =	shalt  }
0x65: {  	_ =	shalt  }
0x66: {  	_ =	shalt  }
0x67: {  	_ =	shalt  }
0x68: {  	_ =	shalt  }
0x69: {  	_ =	shalt  }
0x6a: {  	_ =	shalt  }
0x6b: {  	_ =	shalt  }
0x6c: {  	_ =	shalt  }
0x6d: {  	_ =	shalt  }
0x6e: {  	_ =	shalt  }
0x6f: {  	_ =	shalt  }
0x70: {  	_ =	shalt  }
0x71: {  	_ =	shalt  }
0x72: {  	_ =	shalt  }
0x73: {  	_ =	shalt  }
0x74: {  	_ =	shalt  }
0x75: {  	_ =	shalt  }
0x76: {  	_ =	shalt  }
0x77: {  	_ =	shalt  }
0x78: {  	_ =	shalt  }
0x79: {  	_ =	shalt  }
0x7a: {  	_ =	shalt  }
0x7b: {  	_ =	shalt  }
0x7c: {  	_ =	shalt  }
0x7d: {  	_ =	shalt  }
0x7e: {  	_ =	shalt  }
0x7f: {  	_ =	shalt  }
0x80: {  	_ =	shalt  }
0x81: {  	_ =	shalt  }
0x82: {  	_ =	shalt  }
0x83: {  	_ =	shalt  }
0x84: {  	_ =	shalt  }
0x85: {  	_ =	shalt  }
0x86: {  	_ =	shalt  }
0x87: {  	_ =	shalt  }
.Lfunc_end0:
.L_simem_size_0:
called_computation_lowered:
.L_overlay_start_0:
0x88: {  	s2 =	sld [smem:$0x3FD9]  }
0x89: {  	s3 =	sld [smem:$0x3FFE];
	_ =	sdelay $0x1  }
0x8a: {  	s1 =	srdreg.scid  }
0x8b: {  	s0 =	sand.u32 $0x1, s1  }
0x8c: {  	s18 =	sshll.u32 s0, $0xA;
	s2 =	sadd.s32 s3, s2  }
0x8d: {  	s2 =	sadd.s32 s2, s18  }
0x8e: {  	[smem:$0x3FBE] =	sst s2  }
0x8f: {  	_ = 	snop  }
0x90: {  	s2 =	sld [smem:$0x3FC9]  }
0x91: {  	s19 =	sld [smem:$0x3FC8]  }
0x92: {  	s4 =	sld [smem:$0x3FC7]  }
0x93: {  	s5 =	sld [smem:$0x3FC6]  }
0x94: {  	s6 =	sld [smem:$0x3FC5]  }
0x95: {  	s7 =	sld [smem:$0x3FC4]  }
0x96: {  	s8 =	sld [smem:$0x3FD0];
	(tm) =	ssettm $0x1  }
0x97: {  	s9 =	sld [smem:$0x3FFB];
	_ =	sdelay $0x3  }
0x98: {  	_ =	strace s9  }
0x99: {  	s9 =	sld [smem:$0x3FFC];
	_ =	sdelay $0x3  }
0x9a: {  	_ =	strace s9  }
0x9b: {  	s9 =	sld [smem:$0x3FFD];
	_ =	sdelay $0x3  }
0x9c: {  	_ =	strace s9  }
0x9d: {  	_ =	strace $0x8FFFFFFF  }
0x9e: {  	s20 =	sld [smem:$0x3FDB];
	_ =	sdelay $0x1  }
0x9f: {  	s10 =	simm.s32 $_scs_section_size  }
0xa0: {  	s11 =	simm.s32 $_size__tile_overlayer_lowered;
	s12 =	simm.s32 $_tile_overlayer_lowered  }
0xa1: {  	s23 =	simm.s32 $0x1BFF;
	s22 =	sshll.u32 s12, $0x1;
	s9 =	sadd.s32 s10, s20  }
0xa2: {  	s13 =	simm.s32 $0x0;
	s21 =	sshll.u32 s11, $0x1;
	s11 =	sadd.s32 s22, s9  }
0xa3: {  	[timem:s13], [sflag:s23] =	dma.local [hbm:s11], s21  }
0xa4: {  	_ =	swait.ge [sflag:s23], s21  }
0xa5: {  	s10 =	ssub.s32 $0x0, s21;
	[sflag:s23] =	ssyncset.done $0x0  }
0xa6: {  	[sflag:s23] =	ssyncadd.s32 s10;
	_ =	sdelay $0x1  }
0xa7: {  	s24 =	simm.s32 $0x1B8B  }
0xa8: {  	_ =	swait.ge [sflag:s24], $0x1  }
0xa9: {  	[sflag:s24] =	ssyncset.done $0x0  }
0xaa: {  	s25 =	simm.s32 $0x1B8E;
	[sflag:s24] =	ssyncadd.s32 $0xFFFFFFFF  }
0xab: {  	s26 =	simm.s32 $execute0_lowered;
	[smem:$0x3FD2] =	sst s25  }
0xac: {  	s10 =	sshll.u32 s26, $0x1;
	_ =	strace $0x80000046;
	[dreg:$0x1] =	wrdreg $0xFFFFFFFF  }
0xad: {  	s28 =	simm.s32 $_size_execute0_lowered;
	s9 =	sadd.s32 s9, s10;
	[dreg:$0x0] =	wrdreg $0x0  }
0xae: {  	s10 =	sshll.u32 s28, $0x1;
	[dreg:$0x2] =	wrdreg s9  }
0xaf: {  	[dreg:$0x3] =	wrdreg s10  }
0xb0: {  	[dreg:$0x4] =	wrdreg $0xC0  }
0xb1: {  	_ =	task [dreg:s13], $0x5FFFF  }
0xb2: {  	[dreg:$0x1] =	wrdreg $0xFFFFFFFF  }
0xb3: {  	[dreg:$0x0] =	wrdreg $0x60  }
0xb4: {  	[dreg:$0x2] =	wrdreg s5  }
0xb5: {  	[dreg:$0x3] =	wrdreg s6  }
0xb6: {  	[dreg:$0x4] =	wrdreg s7  }
0xb7: {  	[dreg:$0x5] =	wrdreg s2  }
0xb8: {  	[dreg:$0x6] =	wrdreg s19  }
0xb9: {  	[dreg:$0x7] =	wrdreg s4  }
0xba: {  	[dreg:$0x8] =	wrdreg s8  }
0xbb: {  	[dreg:$0x9] =	wrdreg $0x106000  }
0xbc: {  	[dreg:$0xa] =	wrdreg $0x125400  }
0xbd: {  	[dreg:$0xb] =	wrdreg $0x9  }
0xbe: {  	_ =	task.clear_ibuf [dreg:s13], $0xCFFFF;
	_ =	strace $0x90000046  }
0xbf: {  	s29 =	simm.s32 $0x9;
	_ =	strace $0x80000048  }
0xc0: {  	_ =	swait.ge [sflag:s29], $0x1  }
0xc1: {  	[sflag:s29] =	ssyncadd.s32 $0xFFFFFFFF  }
0xc2: {  	_ =	strace $0x90000048  }
0xc3: {  	_ =	sfence  }
0xc4: {  	s30 =	sld [smem:$0x0];
	_ =	sdelay $0x2  }
0xc5: {  	s31 =	sshll.u32 s1, $0xD;
	s1 =	sshrl.u32 s1, $0x2  }
0xc6: {  	s3 =	sand.u32 $0x4000, s31;
	s1 =	sadd.s32 s1, s30  }
0xc7: {  	s0 =	sor.u32 s3, s0;
	s1 =	sshll.u32 s1, $0x11  }
0xc8: {  	s0 =	sor.u32 s1, s0  }
0xc9: {  	s0 =	sadd.s32 $0x8F2B, s0  }
0xca: {  	[sflag:s0] =	ssyncadd.remote.s32 $0x1  }
0xcb: {  	_ =	sfence.sel $0xFFFF  }
0xcc: {  	[dreg:$0x0] =	wrdreg $0xFFFFFFFF;
	(pc) =	sbr.abs _section_cstart, $3  }
0xcd: {  	[dreg:$0x1] =	wrdreg $0xFFFFFFFF  }
0xce: {  	_ =	task.clear_ibuf [dreg:s13], $0x2FFFF;
	_ =	strace $0x9FFFFFFF  }
0xcf: {  	(tm) =	ssettm $0x7FFFFFFF  }
tec
execute0_lowered:
.L_overlay_start_1:
0x0: {  	(tag) =	ssettag $0x1  }
0x1: {  	s3 =	rddreg [dreg:$0x0]  }
0x2: {  	s0 =	rddreg [dreg:$0x1]  }
0x3: {  	s19 =	rddreg [dreg:$0x2]  }
0x4: {  	s20 =	rddreg [dreg:$0x3]  }
0x5: {  	s5 =	rddreg [dreg:$0x4]  }
0x6: {  	s6 =	rddreg [dreg:$0x5]  }
0x7: {  	s7 =	rddreg [dreg:$0x6]  }
0x8: {  	s4 =	rddreg [dreg:$0x7]  }
0x9: {  	s2 =	rddreg [dreg:$0x8]  }
0xa: {  	s1 =	srdreg.scid;
	s29 =	rddreg [dreg:$0x9]  }
0xb: {  	s8 =	stileid.u32;
	p1 =	por $0x0, $0x0;
	[dreg:$0xa] =	wrdreg s0  }
0xc: {  	[dreg:$0xb] =	wrdreg s19;
	s9 =	sand.u32 $0x1, s1;
	s10 =	sshll.u32 s8, $0xA  }
0xd: {  	s1 =	simm.s32 $0x0;
	p0 =	sne.s32 s8, $0x0;
	s8 =	simm.s32 $0x8600  }
0xe: {  	s11 =	sshll.u32 s9, $0x9;
	[smem:$0x7FF] =	sst s1;
	s30 =	ssub.s32 $0x2, s9  }
0xf: {  	s28 =	sshrl.u32 @!p0 s4, $0x3;
	s10 =	sor.u32 s11, s10;
	_ =	strace $0x80000047  }
0x10: {  	s9 =	sshrl.u32 s30, $0x1;
	s11 =	sshrl.u32 s10, $0x3;
	s13 =	sor.u32 $0x80, s10  }
0x11: {  	s14 =	sor.u32 $0x100, s10;
	s17 =	sor.u32 $0x180, s10;
	s9 =	ssub.s32 s30, s9  }
0x12: {  	s12 =	sadd.s32 s20, s11;
	s21 =	sshrl.u32 s13, $0x3;
	s16 =	sshrl.u32 s14, $0x3  }
0x13: {  	s18 =	sshrl.u32 s17, $0x3;
	s23 =	sadd.s32 s5, s11;
	[dreg:$0xc] =	wrdreg s12  }
0x14: {  	s11 =	sadd.s32 s6, s11;
	s30 =	smax.u32 s9, $0x1;
	[dreg:$0x10] =	wrdreg s23  }
0x15: {  	s9 =	simm.s32 $0x80;
	s15 =	sadd.s32 s20, s21;
	[dreg:$0x14] =	wrdreg s11  }
0x16: {  	s22 =	sadd.s32 s20, s16;
	s0 =	sadd.s32 s20, s18;
	[dreg:$0xd] =	wrdreg s15  }
0x17: {  	s24 =	sadd.s32 s5, s21;
	s25 =	sadd.s32 s5, s16;
	[dreg:$0xe] =	wrdreg s22  }
0x18: {  	s26 =	sadd.s32 s5, s18;
	s16 =	sadd.s32 s6, s16;
	[dreg:$0xf] =	wrdreg s0  }
0x19: {  	s19 =	sadd.s32 s6, s18;
	s20 =	sshll.u32 s10, $0x4;
	[dreg:$0x11] =	wrdreg s24  }
0x1a: {  	s18 =	simm.s32 $0x400;
	s12 =	simm.s32 $0x600;
	[dreg:$0x12] =	wrdreg s25  }
0x1b: {  	s11 =	simm.s32 $0x4600;
	s10 =	simm.s32 $0x4;
	[dreg:$0x13] =	wrdreg s26  }
0x1c: {  	s31 =	sadd.s32 $0xFFFFFFFF, s30;
	s15 =	sadd.s32 s6, s21;
	[dreg:$0x16] =	wrdreg s16  }
0x1d: {  	[dreg:$0x17] =	wrdreg s19;
	s21 =	sadd.s32 s7, s20;
	s22 =	sshll.u32 s13, $0x4  }
0x1e: {  	s24 =	sshll.u32 s14, $0x4;
	s26 =	sshll.u32 s17, $0x4;
	s20 =	simm.s32 $0x300  }
0x1f: {  	s19 =	simm.s32 $0x380;
	s17 =	simm.s32 $0x480;
	s14 =	simm.s32 $0x500  }
0x20: {  	s13 =	simm.s32 $0x580;
	s16 =	simm.s32 $0x3;
	s0 =	rddreg [dreg:$0xc]  }
0x21: {  	p2 =	sne.s32 s31, $0x0;
	s6 =	simm.s32 $0x5;
	[dreg:$0x15] =	wrdreg s15  }
.Ltmp0:
0x22: {  	[dreg:$0x18] =	wrdreg s21;
	s23 =	sadd.s32 s7, s22;
	(pc) =	sbr.rel @!p2 .LBB2_1-.Ltmp0, $4  }
0x23: {  	s25 =	sadd.s32 s7, s24;
	s5 =	sadd.s32 s7, s26;
	s24 =	simm.s32 $0x100  }
0x24: {  	s26 =	simm.s32 $0x180;
	s21 =	simm.s32 $0x280;
	s7 =	simm.s32 $0xC600  }
0x25: {  	s22 =	simm.s32 $0x2;
	s15 =	sshrl.u32 @!p0 s2, $0x3;
	[dreg:$0x19] =	wrdreg s23  }
0x26: {  	[dreg:$0x1a] =	wrdreg s25;
	s23 =	simm.s32 $0x200;
	s25 =	simm.s32 $0x1  }
0x27: {  	[tilespmem:s1], [sflag:$0x1] =	stream.linear.gather [hbm4b:s0+s1], $0x80, $0x38;
	[tilespmem:$0x14480] =	vst v63  }
0x28: {  	s29 =	rddreg [dreg:$0xd]  }
0x29: {  	[tilespmem:s9], [sflag:$0x1] =	stream.linear.gather [hbm4b:s29+s1], $0x80, $0x38;
	[tilespmem:$0x14480] =	vst v63  }
0x2a: {  	s0 =	rddreg [dreg:$0xe]  }
0x2b: {  	[tilespmem:s24], [sflag:$0x1] =	stream.linear.gather [hbm4b:s0+s1], $0x80, $0x38;
	[tilespmem:$0x14480] =	vst v63  }
0x2c: {  	s29 =	rddreg [dreg:$0xf]  }
0x2d: {  	[tilespmem:s26], [sflag:$0x1] =	stream.linear.gather [hbm4b:s29+s1], $0x80, $0x38;
	[tilespmem:$0x14480] =	vst v63  }
0x2e: {  	s0 =	rddreg [dreg:$0x10]  }
0x2f: {  	[tilespmem:s23], [sflag:$0x1] =	stream.linear.gather [hbm4b:s0+s1], $0x80, $0x38;
	[tilespmem:$0x14480] =	vst v63  }
0x30: {  	s29 =	rddreg [dreg:$0x11]  }
0x31: {  	[tilespmem:s21], [sflag:$0x1] =	stream.linear.gather [hbm4b:s29+s1], $0x80, $0x38;
	[tilespmem:$0x14480] =	vst v63  }
0x32: {  	s0 =	rddreg [dreg:$0x12]  }
0x33: {  	[tilespmem:s20], [sflag:$0x1] =	stream.linear.gather [hbm4b:s0+s1], $0x80, $0x38;
	[tilespmem:$0x14480] =	vst v63  }
0x34: {  	s29 =	rddreg [dreg:$0x13]  }
0x35: {  	[tilespmem:s19], [sflag:$0x1] =	stream.linear.gather [hbm4b:s29+s1], $0x80, $0x38;
	[tilespmem:$0x14480] =	vst v63  }
0x36: {  	s0 =	rddreg [dreg:$0x14]  }
0x37: {  	[tilespmem:s18], [sflag:$0x1] =	stream.linear.gather [hbm4b:s0+s1], $0x80, $0x38;
	[tilespmem:$0x14480] =	vst v63  }
0x38: {  	s29 =	rddreg [dreg:$0x15]  }
0x39: {  	[tilespmem:s17], [sflag:$0x1] =	stream.linear.gather [hbm4b:s29+s1], $0x80, $0x38;
	[tilespmem:$0x14480] =	vst v63  }
0x3a: {  	s0 =	rddreg [dreg:$0x16]  }
0x3b: {  	[tilespmem:s14], [sflag:$0x1] =	stream.linear.gather [hbm4b:s0+s1], $0x80, $0x38;
	[tilespmem:$0x14480] =	vst v63  }
0x3c: {  	s29 =	rddreg [dreg:$0x17]  }
0x3d: {  	[tilespmem:s13], [sflag:$0x1] =	stream.linear.gather [hbm4b:s29+s1], $0x80, $0x38;
	[tilespmem:$0x14480] =	vst v63  }
0x3e: {  	s30 =	simm.s32 @!p0 $0x6;
	s0 =	rddreg [dreg:$0xa];
	s29 =	simm.s32 @!p0 $0x1C06  }
0x3f: {  	[spmem:s28], [sflag:s29] =	dma.local @!p0 [hbm:s0], $0x3E80  }
0x40: {  	_ =	swait.ge @!p0 [sflag:s30], $0x3E80  }
0x41: {  	[sflag:s30] =	ssyncset.done @!p0 $0x0  }
0x42: {  	s0 =	rddreg [dreg:$0xb];
	[sflag:s30] =	ssyncadd.s32 @!p0 $0xFFFFC180  }
0x43: {  	[spmem:s15], [sflag:s29] =	dma.local @!p0 [hbm:s0], $0x3E80  }
0x44: {  	_ =	swait.ge @!p0 [sflag:s30], $0x3E80  }
0x45: {  	[sflag:s30] =	ssyncset.done @!p0 $0x0  }
0x46: {  	[sflag:s30] =	ssyncadd.s32 @!p0 $0xFFFFC180  }
0x47: {  	_ =	swait.ge [sflag:s25], $0x80  }
0x48: {  	[sflag:s25] =	ssyncset.done $0x0  }
0x49: {  	[sflag:s25] =	ssyncadd.s32 $0xFFFFFF80  }
0x4a: {  	_ =	swait.ge [sflag:s25], $0x80  }
0x4b: {  	[sflag:s25] =	ssyncset.done $0x0  }
0x4c: {  	[sflag:s25] =	ssyncadd.s32 $0xFFFFFF80  }
0x4d: {  	_ =	swait.ge [sflag:s25], $0x80  }
0x4e: {  	[sflag:s25] =	ssyncset.done $0x0  }
0x4f: {  	[sflag:s25] =	ssyncadd.s32 $0xFFFFFF80  }
0x50: {  	_ =	swait.ge [sflag:s25], $0x80  }
0x51: {  	[sflag:s25] =	ssyncset.done $0x0  }
0x52: {  	[sflag:s25] =	ssyncadd.s32 $0xFFFFFF80  }
0x53: {  	_ =	swait.ge [sflag:s25], $0x80  }
0x54: {  	[sflag:s25] =	ssyncset.done $0x0  }
0x55: {  	[sflag:s25] =	ssyncadd.s32 $0xFFFFFF80  }
0x56: {  	_ =	swait.ge [sflag:s25], $0x80  }
0x57: {  	[sflag:s25] =	ssyncset.done $0x0  }
0x58: {  	[sflag:s25] =	ssyncadd.s32 $0xFFFFFF80  }
0x59: {  	_ =	swait.ge [sflag:s25], $0x80  }
0x5a: {  	[sflag:s25] =	ssyncset.done $0x0  }
0x5b: {  	[sflag:s25] =	ssyncadd.s32 $0xFFFFFF80  }
0x5c: {  	_ =	swait.ge [sflag:s25], $0x80  }
0x5d: {  	[sflag:s25] =	ssyncset.done $0x0  }
0x5e: {  	[sflag:s25] =	ssyncadd.s32 $0xFFFFFF80  }
0x5f: {  	_ =	swait.ge [sflag:s25], $0x80  }
0x60: {  	[sflag:s25] =	ssyncset.done $0x0  }
0x61: {  	[sflag:s25] =	ssyncadd.s32 $0xFFFFFF80  }
0x62: {  	_ =	swait.ge [sflag:s25], $0x80  }
0x63: {  	[sflag:s25] =	ssyncset.done $0x0  }
0x64: {  	[sflag:s25] =	ssyncadd.s32 $0xFFFFFF80  }
0x65: {  	_ =	swait.ge [sflag:s25], $0x80  }
0x66: {  	[sflag:s25] =	ssyncset.done $0x0  }
0x67: {  	[sflag:s25] =	ssyncadd.s32 $0xFFFFFF80  }
0x68: {  	_ =	swait.ge [sflag:s25], $0x80  }
0x69: {  	[sflag:s25] =	ssyncset.done $0x0  }
0x6a: {  	[sflag:s25] =	ssyncadd.s32 $0xFFFFFF80  }
0x6b: {  	[tilespmem:s12], [sflag:$0x2] =	stream.indirect.gather [hbm4b:s3+s9], $0x80, s1, s9, $0xb8;
	[tilespmem:$0x14480] =	vst v63  }
0x6c: {  	_ = 	snop  }
0x6d: {  	[tilespmem:s11], [sflag:$0x2] =	stream.indirect.gather [hbm4b:s3+s9], $0x80, s9, s9, $0xb8;
	[tilespmem:$0x14480] =	vst v63  }
0x6e: {  	_ = 	snop  }
0x6f: {  	[tilespmem:s8], [sflag:$0x2] =	stream.indirect.gather [hbm4b:s3+s9], $0x80, s24, s9, $0xb8;
	[tilespmem:$0x14480] =	vst v63  }
0x70: {  	_ = 	snop  }
0x71: {  	[tilespmem:s7], [sflag:$0x2] =	stream.indirect.gather [hbm4b:s3+s9], $0x80, s26, s9, $0xb8;
	[tilespmem:$0x14480] =	vst v63  }
0x72: {  	[bflag:$0x0] =	sbarrier.arrive $0xFFFF  }
0x73: {  	_ =	swait.ge [sflag:s22], $0x4000  }
0x74: {  	[sflag:s22] =	ssyncset.done $0x0  }
0x75: {  	[sflag:s22] =	ssyncadd.s32 $0xFFFFC000  }
0x76: {  	[tilespmem:s12], [sflag:$0x3] =	stream.indirect.gather.add.f32 [spmem:s4], $0x80, s23, s9, $0xb8;
	[tilespmem:$0x14480] =	vst v63  }
0x77: {  	_ =	swait.ge [sflag:s22], $0x4000  }
0x78: {  	[sflag:s22] =	ssyncset.done $0x0  }
0x79: {  	[sflag:s22] =	ssyncadd.s32 $0xFFFFC000  }
0x7a: {  	[tilespmem:s11], [sflag:$0x3] =	stream.indirect.gather.add.f32 [spmem:s4], $0x80, s21, s9, $0xb8;
	[tilespmem:$0x14480] =	vst v63  }
0x7b: {  	_ =	swait.ge [sflag:s22], $0x4000  }
0x7c: {  	[sflag:s22] =	ssyncset.done $0x0  }
0x7d: {  	[sflag:s22] =	ssyncadd.s32 $0xFFFFC000  }
0x7e: {  	[tilespmem:s8], [sflag:$0x3] =	stream.indirect.gather.add.f32 [spmem:s4], $0x80, s20, s9, $0xb8;
	[tilespmem:$0x14480] =	vst v63  }
0x7f: {  	_ =	swait.ge [sflag:s22], $0x4000  }
0x80: {  	[sflag:s22] =	ssyncset.done $0x0  }
0x81: {  	[sflag:s22] =	ssyncadd.s32 $0xFFFFC000  }
0x82: {  	[tilespmem:s7], [sflag:$0x3] =	stream.indirect.gather.add.f32 [spmem:s4], $0x80, s19, s9, $0xb8;
	[tilespmem:$0x14480] =	vst v63  }
0x83: {  	_ =	swait.ge [sflag:s16], $0x4000  }
0x84: {  	[sflag:s16] =	ssyncset.done $0x0  }
0x85: {  	[sflag:s16] =	ssyncadd.s32 $0xFFFFC000  }
0x86: {  	[tilespmem:s12], [sflag:$0x4] =	stream.indirect.gather.add.f32 [spmem:s2], $0x80, s18, s9, $0xb8;
	[tilespmem:$0x14480] =	vst v63  }
0x87: {  	_ =	swait.ge [sflag:s16], $0x4000  }
0x88: {  	[sflag:s16] =	ssyncset.done $0x0  }
0x89: {  	[sflag:s16] =	ssyncadd.s32 $0xFFFFC000  }
0x8a: {  	[tilespmem:s11], [sflag:$0x4] =	stream.indirect.gather.add.f32 [spmem:s2], $0x80, s17, s9, $0xb8;
	[tilespmem:$0x14480] =	vst v63  }
0x8b: {  	_ =	swait.ge [sflag:s16], $0x4000  }
0x8c: {  	[sflag:s16] =	ssyncset.done $0x0  }
0x8d: {  	[sflag:s16] =	ssyncadd.s32 $0xFFFFC000  }
0x8e: {  	[tilespmem:s8], [sflag:$0x4] =	stream.indirect.gather.add.f32 [spmem:s2], $0x80, s14, s9, $0xb8;
	[tilespmem:$0x14480] =	vst v63  }
0x8f: {  	_ =	swait.ge [sflag:s16], $0x4000  }
0x90: {  	[sflag:s16] =	ssyncset.done $0x0  }
0x91: {  	[sflag:s16] =	ssyncadd.s32 $0xFFFFC000  }
0x92: {  	[tilespmem:s7], [sflag:$0x4] =	stream.indirect.gather.add.f32 [spmem:s2], $0x80, s13, s9, $0xb8;
	[tilespmem:$0x14480] =	vst v63  }
0x93: {  	_ =	swait.ge [sflag:s10], $0x4000  }
0x94: {  	[sflag:s10] =	ssyncset.done $0x0  }
0x95: {  	s24 =	rddreg [dreg:$0x18];
	[sflag:s10] =	ssyncadd.s32 $0xFFFFC000  }
0x96: {  	[hbm4b:s24+s1] =	stream.linear.scatter [tilespmem:s12], [sflag:$0x5], $0x4000, $0x38;
	[tilespmem:$0x14480] =	vst v63  }
0x97: {  	_ =	swait.ge [sflag:s10], $0x4000  }
0x98: {  	[sflag:s10] =	ssyncset.done $0x0  }
0x99: {  	s26 =	rddreg [dreg:$0x19];
	[sflag:s10] =	ssyncadd.s32 $0xFFFFC000  }
0x9a: {  	[hbm4b:s26+s1] =	stream.linear.scatter [tilespmem:s11], [sflag:$0x5], $0x4000, $0x38;
	[tilespmem:$0x14480] =	vst v63  }
0x9b: {  	_ =	swait.ge [sflag:s10], $0x4000  }
0x9c: {  	[sflag:s10] =	ssyncset.done $0x0  }
0x9d: {  	s29 =	rddreg [dreg:$0x1a];
	[sflag:s10] =	ssyncadd.s32 $0xFFFFC000  }
0x9e: {  	[hbm4b:s29+s1] =	stream.linear.scatter [tilespmem:s8], [sflag:$0x5], $0x4000, $0x38;
	[tilespmem:$0x14480] =	vst v63  }
0x9f: {  	_ =	swait.ge [sflag:s10], $0x4000  }
0xa0: {  	[sflag:s10] =	ssyncset.done $0x0  }
0xa1: {  	[sflag:s10] =	ssyncadd.s32 $0xFFFFC000  }
0xa2: {  	[hbm4b:s5+s1] =	stream.linear.scatter [tilespmem:s7], [sflag:$0x5], $0x4000, $0x38;
	[tilespmem:$0x14480] =	vst v63  }
0xa3: {  	_ =	swait.ge [sflag:s6], $0x4000  }
0xa4: {  	[sflag:s6] =	ssyncset.done $0x0  }
0xa5: {  	[sflag:s6] =	ssyncadd.s32 $0xFFFFC000  }
0xa6: {  	_ =	swait.ge [sflag:s6], $0x4000  }
0xa7: {  	s31 =	sadd.s32 $0xFFFFFFFF, s31;
	[sflag:s6] =	ssyncset.done $0x0  }
0xa8: {  	p2 =	sne.s32 s31, $0x0;
	[sflag:s6] =	ssyncadd.s32 $0xFFFFC000  }
.Ltmp1:
0xa9: {  	_ =	swait.ge [sflag:s6], $0x4000;
	(pc) =	sbr.rel @!p2 .LBB2_7-.Ltmp1, $4  }
0xaa: {  	[sflag:s6] =	ssyncset.done $0x0  }
0xab: {  	[sflag:s6] =	ssyncadd.s32 $0xFFFFC000  }
0xac: {  	p1 =	por $0x1, $0x1;
	_ =	swait.ge [sflag:s6], $0x4000;
	[dreg:$0x1b] =	wrdreg s28  }
0xad: {  	s4 =	smov.u32 s2;
	s0 =	rddreg [dreg:$0xc];
	[sflag:s6] =	ssyncset.done $0x0  }
0xae: {  	s28 =	simm.s32 $0x100;
	s29 =	simm.s32 $0x600;
	s26 =	simm.s32 $0x200  }
0xaf: {  	s24 =	simm.s32 $0x280;
	s23 =	simm.s32 $0x300;
	s21 =	simm.s32 $0x380  }
0xb0: {  	s20 =	simm.s32 $0x400;
	s17 =	simm.s32 $0x480;
	s19 =	simm.s32 $0x500  }
.LBB2_4:
0xb1: {  	s14 =	smov.u32 s5;
	s5 =	rddreg [dreg:$0xa];
	[sflag:s6] =	ssyncadd.s32 $0xFFFFC000  }
0xb2: {  	[tilespmem:s1], [sflag:$0x1] =	stream.linear.gather [hbm4b:s0+s1], $0x80, $0x38;
	[tilespmem:$0x14480] =	vst v63  }
0xb3: {  	s13 =	rddreg [dreg:$0xd]  }
0xb4: {  	[tilespmem:s9], [sflag:$0x1] =	stream.linear.gather [hbm4b:s13+s1], $0x80, $0x38;
	[tilespmem:$0x14480] =	vst v63  }
0xb5: {  	s12 =	rddreg [dreg:$0xe]  }
0xb6: {  	[tilespmem:s28], [sflag:$0x1] =	stream.linear.gather [hbm4b:s12+s1], $0x80, $0x38;
	[tilespmem:$0x14480] =	vst v63  }
0xb7: {  	s18 =	rddreg [dreg:$0xf];
	s7 =	simm.s32 $0x180  }
0xb8: {  	[tilespmem:s7], [sflag:$0x1] =	stream.linear.gather [hbm4b:s18+s1], $0x80, $0x38;
	[tilespmem:$0x14480] =	vst v63  }
0xb9: {  	s0 =	rddreg [dreg:$0x10]  }
0xba: {  	[tilespmem:s26], [sflag:$0x1] =	stream.linear.gather [hbm4b:s0+s1], $0x80, $0x38;
	[tilespmem:$0x14480] =	vst v63  }
0xbb: {  	s18 =	rddreg [dreg:$0x11]  }
0xbc: {  	[tilespmem:s24], [sflag:$0x1] =	stream.linear.gather [hbm4b:s18+s1], $0x80, $0x38;
	[tilespmem:$0x14480] =	vst v63  }
0xbd: {  	s0 =	rddreg [dreg:$0x12]  }
0xbe: {  	[tilespmem:s23], [sflag:$0x1] =	stream.linear.gather [hbm4b:s0+s1], $0x80, $0x38;
	[tilespmem:$0x14480] =	vst v63  }
0xbf: {  	s18 =	rddreg [dreg:$0x13]  }
0xc0: {  	[tilespmem:s21], [sflag:$0x1] =	stream.linear.gather [hbm4b:s18+s1], $0x80, $0x38;
	[tilespmem:$0x14480] =	vst v63  }
0xc1: {  	s0 =	rddreg [dreg:$0x14]  }
0xc2: {  	[tilespmem:s20], [sflag:$0x1] =	stream.linear.gather [hbm4b:s0+s1], $0x80, $0x38;
	[tilespmem:$0x14480] =	vst v63  }
0xc3: {  	s18 =	rddreg [dreg:$0x15]  }
0xc4: {  	[tilespmem:s17], [sflag:$0x1] =	stream.linear.gather [hbm4b:s18+s1], $0x80, $0x38;
	[tilespmem:$0x14480] =	vst v63  }
0xc5: {  	s0 =	rddreg [dreg:$0x16]  }
0xc6: {  	[tilespmem:s19], [sflag:$0x1] =	stream.linear.gather [hbm4b:s0+s1], $0x80, $0x38;
	[tilespmem:$0x14480] =	vst v63  }
0xc7: {  	s2 =	smov.u32 s15;
	s15 =	simm.s32 $0x580;
	s18 =	rddreg [dreg:$0x17]  }
0xc8: {  	[tilespmem:s15], [sflag:$0x1] =	stream.linear.gather [hbm4b:s18+s1], $0x80, $0x38;
	[tilespmem:$0x14480] =	vst v63  }
0xc9: {  	s0 =	rddreg [dreg:$0x1b];
	s18 =	simm.s32 @!p0 $0x1C06  }
0xca: {  	[spmem:s0], [sflag:s18] =	dma.local @!p0 [hbm:s5], $0x3E80  }
0xcb: {  	_ =	swait.ge @!p0 [sflag:s30], $0x3E80  }
0xcc: {  	[sflag:s30] =	ssyncset.done @!p0 $0x0  }
0xcd: {  	s0 =	rddreg [dreg:$0xb];
	[sflag:s30] =	ssyncadd.s32 @!p0 $0xFFFFC180  }
0xce: {  	[spmem:s2], [sflag:s18] =	dma.local @!p0 [hbm:s0], $0x3E80  }
0xcf: {  	_ =	swait.ge @!p0 [sflag:s30], $0x3E80  }
0xd0: {  	[sflag:s30] =	ssyncset.done @!p0 $0x0  }
0xd1: {  	[sflag:s30] =	ssyncadd.s32 @!p0 $0xFFFFC180  }
0xd2: {  	_ =	swait.ge [sflag:s25], $0x80  }
0xd3: {  	[sflag:s25] =	ssyncset.done $0x0  }
0xd4: {  	[sflag:s25] =	ssyncadd.s32 $0xFFFFFF80  }
0xd5: {  	_ =	swait.ge [sflag:s25], $0x80  }
0xd6: {  	[sflag:s25] =	ssyncset.done $0x0  }
0xd7: {  	[sflag:s25] =	ssyncadd.s32 $0xFFFFFF80  }
0xd8: {  	_ =	swait.ge [sflag:s25], $0x80  }
0xd9: {  	[sflag:s25] =	ssyncset.done $0x0  }
0xda: {  	[sflag:s25] =	ssyncadd.s32 $0xFFFFFF80  }
0xdb: {  	_ =	swait.ge [sflag:s25], $0x80  }
0xdc: {  	[sflag:s25] =	ssyncset.done $0x0  }
0xdd: {  	[sflag:s25] =	ssyncadd.s32 $0xFFFFFF80  }
0xde: {  	_ =	swait.ge [sflag:s25], $0x80  }
0xdf: {  	[sflag:s25] =	ssyncset.done $0x0  }
0xe0: {  	[sflag:s25] =	ssyncadd.s32 $0xFFFFFF80  }
0xe1: {  	_ =	swait.ge [sflag:s25], $0x80  }
0xe2: {  	[sflag:s25] =	ssyncset.done $0x0  }
0xe3: {  	[sflag:s25] =	ssyncadd.s32 $0xFFFFFF80  }
0xe4: {  	_ =	swait.ge [sflag:s25], $0x80  }
0xe5: {  	[sflag:s25] =	ssyncset.done $0x0  }
0xe6: {  	[sflag:s25] =	ssyncadd.s32 $0xFFFFFF80  }
0xe7: {  	_ =	swait.ge [sflag:s25], $0x80  }
0xe8: {  	[sflag:s25] =	ssyncset.done $0x0  }
0xe9: {  	[sflag:s25] =	ssyncadd.s32 $0xFFFFFF80  }
0xea: {  	_ =	swait.ge [sflag:s25], $0x80  }
0xeb: {  	[sflag:s25] =	ssyncset.done $0x0  }
0xec: {  	[sflag:s25] =	ssyncadd.s32 $0xFFFFFF80  }
0xed: {  	_ =	swait.ge [sflag:s25], $0x80  }
0xee: {  	[sflag:s25] =	ssyncset.done $0x0  }
0xef: {  	[sflag:s25] =	ssyncadd.s32 $0xFFFFFF80  }
0xf0: {  	_ =	swait.ge [sflag:s25], $0x80  }
0xf1: {  	[sflag:s25] =	ssyncset.done $0x0  }
0xf2: {  	[sflag:s25] =	ssyncadd.s32 $0xFFFFFF80  }
0xf3: {  	_ =	swait.ge [sflag:s25], $0x80  }
0xf4: {  	[sflag:s25] =	ssyncset.done $0x0  }
0xf5: {  	[sflag:s25] =	ssyncadd.s32 $0xFFFFFF80  }
0xf6: {  	[tilespmem:s29], [sflag:$0x2] =	stream.indirect.gather [hbm4b:s3+s9], $0x80, s1, s9, $0xb8;
	[tilespmem:$0x14480] =	vst v63  }
0xf7: {  	s12 =	simm.s32 $0x4600  }
0xf8: {  	[tilespmem:s12], [sflag:$0x2] =	stream.indirect.gather [hbm4b:s3+s9], $0x80, s9, s9, $0xb8;
	[tilespmem:$0x14480] =	vst v63  }
0xf9: {  	s11 =	simm.s32 $0x8600  }
0xfa: {  	[tilespmem:s11], [sflag:$0x2] =	stream.indirect.gather [hbm4b:s3+s9], $0x80, s28, s9, $0xb8;
	[tilespmem:$0x14480] =	vst v63  }
0xfb: {  	s8 =	simm.s32 $0xC600  }
0xfc: {  	[tilespmem:s8], [sflag:$0x2] =	stream.indirect.gather [hbm4b:s3+s9], $0x80, s7, s9, $0xb8;
	[tilespmem:$0x14480] =	vst v63  }
0xfd: {  	[bflag:$0x0] =	sbarrier.arrive $0xFFFF  }
0xfe: {  	_ =	swait.ge [sflag:s22], $0x4000  }
0xff: {  	[sflag:s22] =	ssyncset.done $0x0  }
0x100: {  	[sflag:s22] =	ssyncadd.s32 $0xFFFFC000  }
0x101: {  	s12 =	simm.s32 $0x600;
	s18 =	rddreg [dreg:$0x7]  }
0x102: {  	[tilespmem:s12], [sflag:$0x3] =	stream.indirect.gather.add.f32 [spmem:s18], $0x80, s26, s9, $0xb8;
	[tilespmem:$0x14480] =	vst v63  }
0x103: {  	_ =	swait.ge [sflag:s22], $0x4000  }
0x104: {  	[sflag:s22] =	ssyncset.done $0x0  }
0x105: {  	s11 =	simm.s32 $0x4600;
	[sflag:s22] =	ssyncadd.s32 $0xFFFFC000  }
0x106: {  	[tilespmem:s11], [sflag:$0x3] =	stream.indirect.gather.add.f32 [spmem:s18], $0x80, s24, s9, $0xb8;
	[tilespmem:$0x14480] =	vst v63  }
0x107: {  	_ =	swait.ge [sflag:s22], $0x4000  }
0x108: {  	[sflag:s22] =	ssyncset.done $0x0  }
0x109: {  	s8 =	simm.s32 $0x8600;
	[sflag:s22] =	ssyncadd.s32 $0xFFFFC000  }
0x10a: {  	[tilespmem:s8], [sflag:$0x3] =	stream.indirect.gather.add.f32 [spmem:s18], $0x80, s23, s9, $0xb8;
	[tilespmem:$0x14480] =	vst v63  }
0x10b: {  	_ =	swait.ge [sflag:s22], $0x4000  }
0x10c: {  	[sflag:s22] =	ssyncset.done $0x0  }
0x10d: {  	s7 =	simm.s32 $0xC600;
	[sflag:s22] =	ssyncadd.s32 $0xFFFFC000  }
0x10e: {  	[tilespmem:s7], [sflag:$0x3] =	stream.indirect.gather.add.f32 [spmem:s18], $0x80, s21, s9, $0xb8;
	[tilespmem:$0x14480] =	vst v63  }
0x10f: {  	_ =	swait.ge [sflag:s16], $0x4000  }
0x110: {  	[sflag:s16] =	ssyncset.done $0x0  }
0x111: {  	[sflag:s16] =	ssyncadd.s32 $0xFFFFC000  }
0x112: {  	[tilespmem:s12], [sflag:$0x4] =	stream.indirect.gather.add.f32 [spmem:s4], $0x80, s20, s9, $0xb8;
	[tilespmem:$0x14480] =	vst v63  }
0x113: {  	_ =	swait.ge [sflag:s16], $0x4000  }
0x114: {  	[sflag:s16] =	ssyncset.done $0x0  }
0x115: {  	[sflag:s16] =	ssyncadd.s32 $0xFFFFC000  }
0x116: {  	[tilespmem:s11], [sflag:$0x4] =	stream.indirect.gather.add.f32 [spmem:s4], $0x80, s17, s9, $0xb8;
	[tilespmem:$0x14480] =	vst v63  }
0x117: {  	_ =	swait.ge [sflag:s16], $0x4000  }
0x118: {  	[sflag:s16] =	ssyncset.done $0x0  }
0x119: {  	[sflag:s16] =	ssyncadd.s32 $0xFFFFC000  }
0x11a: {  	[tilespmem:s8], [sflag:$0x4] =	stream.indirect.gather.add.f32 [spmem:s4], $0x80, s19, s9, $0xb8;
	[tilespmem:$0x14480] =	vst v63  }
0x11b: {  	_ =	swait.ge [sflag:s16], $0x4000  }
0x11c: {  	[sflag:s16] =	ssyncset.done $0x0  }
0x11d: {  	s13 =	simm.s32 $0x580;
	[sflag:s16] =	ssyncadd.s32 $0xFFFFC000  }
0x11e: {  	[tilespmem:s7], [sflag:$0x4] =	stream.indirect.gather.add.f32 [spmem:s4], $0x80, s13, s9, $0xb8;
	[tilespmem:$0x14480] =	vst v63  }
0x11f: {  	_ =	swait.ge [sflag:s10], $0x4000  }
0x120: {  	[sflag:s10] =	ssyncset.done $0x0  }
0x121: {  	s18 =	rddreg [dreg:$0x18];
	[sflag:s10] =	ssyncadd.s32 $0xFFFFC000  }
0x122: {  	[hbm4b:s18+s1] =	stream.linear.scatter [tilespmem:s12], [sflag:$0x5], $0x4000, $0x38;
	[tilespmem:$0x14480] =	vst v63  }
0x123: {  	_ =	swait.ge [sflag:s10], $0x4000  }
0x124: {  	[sflag:s10] =	ssyncset.done $0x0  }
0x125: {  	s18 =	rddreg [dreg:$0x19];
	[sflag:s10] =	ssyncadd.s32 $0xFFFFC000  }
0x126: {  	[hbm4b:s18+s1] =	stream.linear.scatter [tilespmem:s11], [sflag:$0x5], $0x4000, $0x38;
	[tilespmem:$0x14480] =	vst v63  }
0x127: {  	_ =	swait.ge [sflag:s10], $0x4000  }
0x128: {  	[sflag:s10] =	ssyncset.done $0x0  }
0x129: {  	s18 =	rddreg [dreg:$0x1a];
	[sflag:s10] =	ssyncadd.s32 $0xFFFFC000  }
0x12a: {  	[hbm4b:s18+s1] =	stream.linear.scatter [tilespmem:s8], [sflag:$0x5], $0x4000, $0x38;
	[tilespmem:$0x14480] =	vst v63  }
0x12b: {  	_ =	swait.ge [sflag:s10], $0x4000  }
0x12c: {  	[sflag:s10] =	ssyncset.done $0x0  }
0x12d: {  	[sflag:s10] =	ssyncadd.s32 $0xFFFFC000  }
0x12e: {  	[hbm4b:s14+s1] =	stream.linear.scatter [tilespmem:s7], [sflag:$0x5], $0x4000, $0x38;
	[tilespmem:$0x14480] =	vst v63  }
0x12f: {  	_ =	swait.ge [sflag:s6], $0x4000  }
0x130: {  	[sflag:s6] =	ssyncset.done $0x0  }
0x131: {  	[sflag:s6] =	ssyncadd.s32 $0xFFFFC000  }
0x132: {  	_ =	swait.ge [sflag:s6], $0x4000  }
0x133: {  	s31 =	sadd.s32 $0xFFFFFFFF, s31;
	[sflag:s6] =	ssyncset.done $0x0  }
0x134: {  	p2 =	sne.s32 s31, $0x0;
	[sflag:s6] =	ssyncadd.s32 $0xFFFFC000  }
.Ltmp2:
0x135: {  	_ =	swait.ge [sflag:s6], $0x4000;
	(pc) =	sbr.rel @p2 .LBB2_4-.Ltmp2, $4  }
0x136: {  	[sflag:s6] =	ssyncset.done $0x0  }
0x137: {  	[sflag:s6] =	ssyncadd.s32 $0xFFFFC000  }
0x138: {  	s15 =	smov.u32 s2;
	_ =	swait.ge [sflag:s6], $0x4000  }
0x139: {  	s5 =	smov.u32 s14;
	s0 =	rddreg [dreg:$0xc];
	[sflag:s6] =	ssyncset.done $0x0  }
0x13a: {  	s31 =	rddreg [dreg:$0x7]  }
0x13b: {  	s30 =	smov.u32 s4;
	s29 =	rddreg [dreg:$0x9]  }
0x13c: {  	s17 =	simm.s32 $0x480;
	s18 =	simm.s32 $0x400;
	s19 =	simm.s32 $0x380  }
0x13d: {  	s20 =	simm.s32 $0x300;
	s21 =	simm.s32 $0x280;
	s23 =	simm.s32 $0x200  }
0x13e: {  	s24 =	simm.s32 $0x100;
	s26 =	simm.s32 $0x180;
	s28 =	rddreg [dreg:$0x1b]  }
.LBB2_6:
0x13f: {  	[sflag:s6] =	ssyncadd.s32 @p1 $0xFFFFC000;
	s5 =	rddreg [dreg:$0xd]  }
0x140: {  	[tilespmem:s1], [sflag:$0x1] =	stream.linear.gather [hbm4b:s0+s1], $0x80, $0x38;
	[tilespmem:$0x14480] =	vst v63  }
0x141: {  	s4 =	rddreg [dreg:$0xe]  }
0x142: {  	[tilespmem:s9], [sflag:$0x1] =	stream.linear.gather [hbm4b:s5+s1], $0x80, $0x38;
	[tilespmem:$0x14480] =	vst v63  }
0x143: {  	s15 =	rddreg [dreg:$0xf]  }
0x144: {  	[tilespmem:s24], [sflag:$0x1] =	stream.linear.gather [hbm4b:s4+s1], $0x80, $0x38;
	[tilespmem:$0x14480] =	vst v63  }
0x145: {  	s0 =	rddreg [dreg:$0x16]  }
0x146: {  	[tilespmem:s26], [sflag:$0x1] =	stream.linear.gather [hbm4b:s15+s1], $0x80, $0x38;
	[tilespmem:$0x14480] =	vst v63  }
0x147: {  	s4 =	rddreg [dreg:$0x10]  }
0x148: {  	[tilespmem:s23], [sflag:$0x1] =	stream.linear.gather [hbm4b:s4+s1], $0x80, $0x38;
	[tilespmem:$0x14480] =	vst v63  }
0x149: {  	s15 =	rddreg [dreg:$0x11]  }
0x14a: {  	[tilespmem:s21], [sflag:$0x1] =	stream.linear.gather [hbm4b:s15+s1], $0x80, $0x38;
	[tilespmem:$0x14480] =	vst v63  }
0x14b: {  	s4 =	rddreg [dreg:$0x12]  }
0x14c: {  	[tilespmem:s20], [sflag:$0x1] =	stream.linear.gather [hbm4b:s4+s1], $0x80, $0x38;
	[tilespmem:$0x14480] =	vst v63  }
0x14d: {  	s15 =	rddreg [dreg:$0x13]  }
0x14e: {  	[tilespmem:s19], [sflag:$0x1] =	stream.linear.gather [hbm4b:s15+s1], $0x80, $0x38;
	[tilespmem:$0x14480] =	vst v63  }
0x14f: {  	s4 =	rddreg [dreg:$0x14]  }
0x150: {  	[tilespmem:s18], [sflag:$0x1] =	stream.linear.gather [hbm4b:s4+s1], $0x80, $0x38;
	[tilespmem:$0x14480] =	vst v63  }
0x151: {  	s15 =	rddreg [dreg:$0x15]  }
0x152: {  	[tilespmem:s17], [sflag:$0x1] =	stream.linear.gather [hbm4b:s15+s1], $0x80, $0x38;
	[tilespmem:$0x14480] =	vst v63  }
0x153: {  	s4 =	rddreg [dreg:$0x17];
	s15 =	simm.s32 $0x500  }
0x154: {  	[tilespmem:s15], [sflag:$0x1] =	stream.linear.gather [hbm4b:s0+s1], $0x80, $0x38;
	[tilespmem:$0x14480] =	vst v63  }
0x155: {  	s5 =	simm.s32 @!p0 $0x1C06;
	s0 =	rddreg [dreg:$0xa]  }
0x156: {  	[tilespmem:s13], [sflag:$0x1] =	stream.linear.gather [hbm4b:s4+s1], $0x80, $0x38;
	[tilespmem:$0x14480] =	vst v63  }
0x157: {  	[spmem:s28], [sflag:s5] =	dma.local @!p0 [hbm:s0], $0x3E80  }
0x158: {  	s0 =	simm.s32 @!p0 $0x6  }
0x159: {  	_ =	swait.ge @!p0 [sflag:s0], $0x3E80  }
0x15a: {  	[sflag:s0] =	ssyncset.done @!p0 $0x0  }
0x15b: {  	s13 =	rddreg [dreg:$0xb];
	[sflag:s0] =	ssyncadd.s32 @!p0 $0xFFFFC180  }
0x15c: {  	[spmem:s2], [sflag:s5] =	dma.local @!p0 [hbm:s13], $0x3E80  }
0x15d: {  	_ =	swait.ge @!p0 [sflag:s0], $0x3E80  }
0x15e: {  	[sflag:s0] =	ssyncset.done @!p0 $0x0  }
0x15f: {  	[sflag:s0] =	ssyncadd.s32 @!p0 $0xFFFFC180  }
0x160: {  	_ =	swait.ge [sflag:s25], $0x80  }
0x161: {  	[sflag:s25] =	ssyncset.done $0x0  }
0x162: {  	[sflag:s25] =	ssyncadd.s32 $0xFFFFFF80  }
0x163: {  	_ =	swait.ge [sflag:s25], $0x80  }
0x164: {  	[sflag:s25] =	ssyncset.done $0x0  }
0x165: {  	[sflag:s25] =	ssyncadd.s32 $0xFFFFFF80  }
0x166: {  	_ =	swait.ge [sflag:s25], $0x80  }
0x167: {  	[sflag:s25] =	ssyncset.done $0x0  }
0x168: {  	[sflag:s25] =	ssyncadd.s32 $0xFFFFFF80  }
0x169: {  	_ =	swait.ge [sflag:s25], $0x80  }
0x16a: {  	[sflag:s25] =	ssyncset.done $0x0  }
0x16b: {  	[sflag:s25] =	ssyncadd.s32 $0xFFFFFF80  }
0x16c: {  	_ =	swait.ge [sflag:s25], $0x80  }
0x16d: {  	[sflag:s25] =	ssyncset.done $0x0  }
0x16e: {  	[sflag:s25] =	ssyncadd.s32 $0xFFFFFF80  }
0x16f: {  	_ =	swait.ge [sflag:s25], $0x80  }
0x170: {  	[sflag:s25] =	ssyncset.done $0x0  }
0x171: {  	[sflag:s25] =	ssyncadd.s32 $0xFFFFFF80  }
0x172: {  	_ =	swait.ge [sflag:s25], $0x80  }
0x173: {  	[sflag:s25] =	ssyncset.done $0x0  }
0x174: {  	[sflag:s25] =	ssyncadd.s32 $0xFFFFFF80  }
0x175: {  	_ =	swait.ge [sflag:s25], $0x80  }
0x176: {  	[sflag:s25] =	ssyncset.done $0x0  }
0x177: {  	[sflag:s25] =	ssyncadd.s32 $0xFFFFFF80  }
0x178: {  	_ =	swait.ge [sflag:s25], $0x80  }
0x179: {  	[sflag:s25] =	ssyncset.done $0x0  }
0x17a: {  	[sflag:s25] =	ssyncadd.s32 $0xFFFFFF80  }
0x17b: {  	_ =	swait.ge [sflag:s25], $0x80  }
0x17c: {  	[sflag:s25] =	ssyncset.done $0x0  }
0x17d: {  	[sflag:s25] =	ssyncadd.s32 $0xFFFFFF80  }
0x17e: {  	_ =	swait.ge [sflag:s25], $0x80  }
0x17f: {  	[sflag:s25] =	ssyncset.done $0x0  }
0x180: {  	[sflag:s25] =	ssyncadd.s32 $0xFFFFFF80  }
0x181: {  	_ =	swait.ge [sflag:s25], $0x80  }
0x182: {  	[sflag:s25] =	ssyncset.done $0x0  }
0x183: {  	[sflag:s25] =	ssyncadd.s32 $0xFFFFFF80  }
0x184: {  	[tilespmem:s12], [sflag:$0x2] =	stream.indirect.gather [hbm4b:s3+s9], $0x80, s1, s9, $0xb8;
	[tilespmem:$0x14480] =	vst v63  }
0x185: {  	_ = 	snop  }
0x186: {  	[tilespmem:s11], [sflag:$0x2] =	stream.indirect.gather [hbm4b:s3+s9], $0x80, s9, s9, $0xb8;
	[tilespmem:$0x14480] =	vst v63  }
0x187: {  	_ = 	snop  }
0x188: {  	[tilespmem:s8], [sflag:$0x2] =	stream.indirect.gather [hbm4b:s3+s9], $0x80, s24, s9, $0xb8;
	[tilespmem:$0x14480] =	vst v63  }
0x189: {  	_ = 	snop  }
0x18a: {  	[tilespmem:s7], [sflag:$0x2] =	stream.indirect.gather [hbm4b:s3+s9], $0x80, s26, s9, $0xb8;
	[tilespmem:$0x14480] =	vst v63  }
0x18b: {  	[bflag:$0x0] =	sbarrier.arrive $0xFFFF  }
0x18c: {  	_ =	swait.ge [sflag:s22], $0x4000  }
0x18d: {  	[sflag:s22] =	ssyncset.done $0x0  }
0x18e: {  	[sflag:s22] =	ssyncadd.s32 $0xFFFFC000  }
0x18f: {  	[tilespmem:s12], [sflag:$0x3] =	stream.indirect.gather.add.f32 [spmem:s31], $0x80, s23, s9, $0xb8;
	[tilespmem:$0x14480] =	vst v63  }
0x190: {  	_ =	swait.ge [sflag:s22], $0x4000  }
0x191: {  	[sflag:s22] =	ssyncset.done $0x0  }
0x192: {  	[sflag:s22] =	ssyncadd.s32 $0xFFFFC000  }
0x193: {  	[tilespmem:s11], [sflag:$0x3] =	stream.indirect.gather.add.f32 [spmem:s31], $0x80, s21, s9, $0xb8;
	[tilespmem:$0x14480] =	vst v63  }
0x194: {  	_ =	swait.ge [sflag:s22], $0x4000  }
0x195: {  	[sflag:s22] =	ssyncset.done $0x0  }
0x196: {  	[sflag:s22] =	ssyncadd.s32 $0xFFFFC000  }
0x197: {  	[tilespmem:s8], [sflag:$0x3] =	stream.indirect.gather.add.f32 [spmem:s31], $0x80, s20, s9, $0xb8;
	[tilespmem:$0x14480] =	vst v63  }
0x198: {  	_ =	swait.ge [sflag:s22], $0x4000  }
0x199: {  	[sflag:s22] =	ssyncset.done $0x0  }
0x19a: {  	[sflag:s22] =	ssyncadd.s32 $0xFFFFC000  }
0x19b: {  	[tilespmem:s7], [sflag:$0x3] =	stream.indirect.gather.add.f32 [spmem:s31], $0x80, s19, s9, $0xb8;
	[tilespmem:$0x14480] =	vst v63  }
0x19c: {  	_ =	swait.ge [sflag:s16], $0x4000  }
0x19d: {  	[sflag:s16] =	ssyncset.done $0x0  }
0x19e: {  	[sflag:s16] =	ssyncadd.s32 $0xFFFFC000  }
0x19f: {  	[tilespmem:s12], [sflag:$0x4] =	stream.indirect.gather.add.f32 [spmem:s30], $0x80, s18, s9, $0xb8;
	[tilespmem:$0x14480] =	vst v63  }
0x1a0: {  	_ =	swait.ge [sflag:s16], $0x4000  }
0x1a1: {  	[sflag:s16] =	ssyncset.done $0x0  }
0x1a2: {  	[sflag:s16] =	ssyncadd.s32 $0xFFFFC000  }
0x1a3: {  	[tilespmem:s11], [sflag:$0x4] =	stream.indirect.gather.add.f32 [spmem:s30], $0x80, s17, s9, $0xb8;
	[tilespmem:$0x14480] =	vst v63  }
0x1a4: {  	_ =	swait.ge [sflag:s16], $0x4000  }
0x1a5: {  	[sflag:s16] =	ssyncset.done $0x0  }
0x1a6: {  	[sflag:s16] =	ssyncadd.s32 $0xFFFFC000  }
0x1a7: {  	[tilespmem:s8], [sflag:$0x4] =	stream.indirect.gather.add.f32 [spmem:s30], $0x80, s15, s9, $0xb8;
	[tilespmem:$0x14480] =	vst v63  }
0x1a8: {  	_ =	swait.ge [sflag:s16], $0x4000  }
0x1a9: {  	[sflag:s16] =	ssyncset.done $0x0  }
0x1aa: {  	s4 =	simm.s32 $0x580;
	[sflag:s16] =	ssyncadd.s32 $0xFFFFC000  }
0x1ab: {  	[tilespmem:s7], [sflag:$0x4] =	stream.indirect.gather.add.f32 [spmem:s30], $0x80, s4, s9, $0xb8;
	[tilespmem:$0x14480] =	vst v63  }
0x1ac: {  	_ =	swait.ge [sflag:s10], $0x4000  }
0x1ad: {  	[sflag:s10] =	ssyncset.done $0x0  }
0x1ae: {  	s28 =	rddreg [dreg:$0x18];
	[sflag:s10] =	ssyncadd.s32 $0xFFFFC000  }
0x1af: {  	[hbm4b:s28+s1] =	stream.linear.scatter [tilespmem:s12], [sflag:$0x5], $0x4000, $0x38;
	[tilespmem:$0x14480] =	vst v63  }
0x1b0: {  	_ =	swait.ge [sflag:s10], $0x4000  }
0x1b1: {  	[sflag:s10] =	ssyncset.done $0x0  }
0x1b2: {  	s30 =	rddreg [dreg:$0x19];
	[sflag:s10] =	ssyncadd.s32 $0xFFFFC000  }
0x1b3: {  	[hbm4b:s30+s1] =	stream.linear.scatter [tilespmem:s11], [sflag:$0x5], $0x4000, $0x38;
	[tilespmem:$0x14480] =	vst v63  }
0x1b4: {  	_ =	swait.ge [sflag:s10], $0x4000  }
0x1b5: {  	[sflag:s10] =	ssyncset.done $0x0  }
0x1b6: {  	s31 =	rddreg [dreg:$0x1a];
	[sflag:s10] =	ssyncadd.s32 $0xFFFFC000  }
0x1b7: {  	[hbm4b:s31+s1] =	stream.linear.scatter [tilespmem:s8], [sflag:$0x5], $0x4000, $0x38;
	[tilespmem:$0x14480] =	vst v63  }
0x1b8: {  	_ =	swait.ge [sflag:s10], $0x4000  }
0x1b9: {  	[sflag:s10] =	ssyncset.done $0x0  }
0x1ba: {  	[sflag:s10] =	ssyncadd.s32 $0xFFFFC000  }
0x1bb: {  	[hbm4b:s14+s1] =	stream.linear.scatter [tilespmem:s7], [sflag:$0x5], $0x4000, $0x38;
	[tilespmem:$0x14480] =	vst v63  }
0x1bc: {  	_ =	swait.ge [sflag:s6], $0x4000  }
0x1bd: {  	[sflag:s6] =	ssyncset.done $0x0  }
0x1be: {  	[sflag:s6] =	ssyncadd.s32 $0xFFFFC000  }
0x1bf: {  	_ =	swait.ge [sflag:s6], $0x4000  }
0x1c0: {  	[sflag:s6] =	ssyncset.done $0x0  }
0x1c1: {  	[sflag:s6] =	ssyncadd.s32 $0xFFFFC000  }
0x1c2: {  	_ =	swait.ge [sflag:s6], $0x4000  }
0x1c3: {  	[sflag:s6] =	ssyncset.done $0x0  }
0x1c4: {  	[sflag:s6] =	ssyncadd.s32 $0xFFFFC000  }
0x1c5: {  	_ =	swait.ge [sflag:s6], $0x4000  }
0x1c6: {  	[sflag:s6] =	ssyncset.done $0x0  }
0x1c7: {  	[sflag:s6] =	ssyncadd.s32 $0xFFFFC000  }
0x1c8: {  	_ =	sfence.sel $0x180000  }
0x1c9: {  	[bflag:$0x0] =	sbarrier.arrive $0xFFFF  }
0x1ca: {  	_ =	strace $0x90000047  }
0x1cb: {  	s0 =	sadd.s32 @!p0 $0x100000, s29;
	[bflag:$0x2] =	sbarrier.arrive $0xFFFF  }
0x1cc: {  	[sflag:s0] =	ssyncadd.tile.s32 @!p0 $0x1;
	_ =	shalt  }
.LBB2_1:
.Ltmp3:
0x1cd: {  	(pc) =	sbr.rel .LBB2_6-.Ltmp3, $3  }
0x1ce: {  	_ =	sdelay $0x1  }
0x1cf: {  	s31 =	smov.u32 s4  }
0x1d0: {  	s30 =	smov.u32 s2;
	s2 =	smov.u32 s15;
	s14 =	smov.u32 s5  }
.LBB2_7:
.Ltmp4:
0x1d1: {  	s31 =	rddreg [dreg:$0x7];
	s30 =	smov.u32 s4;
	(pc) =	sbr.rel .LBB2_6-.Ltmp4, $4  }
0x1d2: {  	s2 =	smov.u32 s15;
	s14 =	smov.u32 s5;
	s29 =	rddreg [dreg:$0x9]  }
0x1d3: {  	s17 =	simm.s32 $0x480;
	s18 =	simm.s32 $0x400;
	s19 =	simm.s32 $0x380  }
0x1d4: {  	s20 =	simm.s32 $0x300;
	s21 =	simm.s32 $0x280;
	s23 =	simm.s32 $0x200  }
0x1d5: {  	s24 =	simm.s32 $0x100;
	s26 =	simm.s32 $0x180;
	s28 =	rddreg [dreg:$0x1b]  }
.Lfunc_end2:
_tile_overlayer_lowered:
.L_overlay_start_2:
0x1d6: {  	(tag) =	ssettag $0x2  }
0x1d7: {  	s0 =	rddreg [dreg:$0x0];
	s2 =	stileid.u32  }
0x1d8: {  	s1 =	rddreg [dreg:$0x1];
	p0 =	sne.s32 s2, $0x0  }
0x1d9: {  	s3 =	rddreg [dreg:$0x2];
	[bflag:$0x3] =	sbarrier.arrive $0xFFFF;
	s2 =	simm.s32 @!p0 $0x1C06  }
0x1da: {  	[timem:s3], [sflag:s2] =	dma.local @!p0 [hbm:s0], s1  }
0x1db: {  	s0 =	simm.s32 @!p0 $0x6  }
0x1dc: {  	_ =	swait.ge @!p0 [sflag:s0], s1  }
0x1dd: {  	s1 =	ssub.s32 @!p0 $0x0, s1;
	[sflag:s0] =	ssyncset.done @!p0 $0x0  }
0x1de: {  	[sflag:s0] =	ssyncadd.s32 @!p0 s1  }
0x1df: {  	[bflag:$0x3] =	sbarrier.arrive $0xFFFF  }
0x1e0: {  	_ =	shalt  }

</sc_bundles>
